<compile_context>
chip_gen: v7x
topology: tpu7x:2x2x1
jax: 0.10.2.dev20260603
libtpu: 0.0.44.dev20260713+nightly
codegen_flags: <defaults>
</compile_context>

<pallas_src>
import jax
import jax.numpy as jnp
from jax import lax
from jax.experimental import pallas as pl
from jax.experimental.pallas import tpu as pltpu
from jax.experimental.pallas import tpu_sc as plsc

_CAPACITY = 16384
_KEY_BITS = 2048
_VALUE_BITS = 2048

_SC_ROWS = 6144
_TC_ROWS = _CAPACITY - _SC_ROWS

_NC = 2
_NS = 16
_NW = _NC * _NS
_L = 16

_ROWS_PER_W = _SC_ROWS // _NW
_G = 16
_GROUPS = _ROWS_PER_W // _G
_CHUNKS = _KEY_BITS // _L
_UNROLL = 2

_BLK = 1024


def _sc_group_start(keys_hbm, kbuf, sems, base, g, b):
    copy = pltpu.make_async_copy(
        keys_hbm.at[pl.ds(base + g * _G, _G)], kbuf.at[b], sems[b]
    )
    copy.start()


def _sc_scan_body(q_hbm, keys_hbm, comb_hbm, q_v, kbuf, res_v, sem0, sem1):
    sems = (sem0, sem1)
    wid = lax.axis_index("s") * _NC + lax.axis_index("c")
    base = wid * _ROWS_PER_W
    pltpu.sync_copy(q_hbm, q_v)
    _sc_group_start(keys_hbm, kbuf, sems, base, 0, 0)

    def pair_body(p, best):
        for b in range(2):
            g = p * 2 + b

            @pl.when(g + 1 < _GROUPS)
            def _start_next():
                _sc_group_start(keys_hbm, kbuf, sems, base, g + 1, 1 - b)

            pltpu.make_async_copy(
                keys_hbm.at[pl.ds(base + g * _G, _G)], kbuf.at[b], sems[b]
            ).wait()

            def chunk_body(j, accs):
                for u in range(_UNROLL):
                    off = (j * _UNROLL + u) * _L
                    q = q_v[pl.ds(off, _L)]
                    accs = tuple(
                        accs[r]
                        + plsc.all_reduce_population_count(
                            kbuf[b, r, pl.ds(off, _L)] != q
                        )
                        for r in range(_G)
                    )
                return accs

            zero = jnp.zeros((_L,), jnp.int32)
            accs = lax.fori_loop(0, _CHUNKS // _UNROLL, chunk_body, (zero,) * _G)
            row0 = base + g * _G
            for r in range(_G):
                combined = accs[r] * _CAPACITY + (row0 + r)
                best = jnp.minimum(best, combined)
        return best

    big = jnp.full((_L,), 2**30, jnp.int32)
    best = lax.fori_loop(0, _GROUPS // 2, pair_body, big)
    res_v[...] = best
    pltpu.sync_copy(res_v, comb_hbm.at[wid])


def _sc_scan(query, keys):
    kern = pl.kernel(
        _sc_scan_body,
        out_type=jax.ShapeDtypeStruct((_NW, _L), jnp.int32),
        mesh=plsc.VectorSubcoreMesh(core_axis_name="c", subcore_axis_name="s"),
        scratch_types=[
            pltpu.VMEM((_KEY_BITS,), jnp.int32),
            pltpu.VMEM((2, _G, _KEY_BITS), jnp.int32),
            pltpu.VMEM((_L,), jnp.int32),
            pltpu.SemaphoreType.DMA,
            pltpu.SemaphoreType.DMA,
        ],
        compiler_params=pltpu.CompilerParams(needs_layout_passes=False),
    )
    return kern(query, keys)


def _tc_scan_body(q_ref, keys_ref, out_ref, best_ref):
    i = pl.program_id(0)
    nblk = pl.num_programs(0)

    @pl.when(i == 0)
    def _init():
        best_ref[0] = jnp.int32(2**30)

    xor = jnp.bitwise_xor(keys_ref[...], q_ref[...])
    dist = jnp.sum(xor, axis=1, keepdims=True)
    rows = lax.broadcasted_iota(jnp.int32, dist.shape, 0)
    combined = dist * _CAPACITY + (_SC_ROWS + i * _BLK + rows)
    blk_best = jnp.min(combined)
    best_ref[0] = jnp.minimum(best_ref[0], blk_best)

    @pl.when(i == nblk - 1)
    def _emit():
        out_ref[0] = best_ref[0]


def _tc_scan(query, keys):
    q2 = query.reshape(1, _KEY_BITS)
    grid = _TC_ROWS // _BLK
    sc_blocks = _SC_ROWS // _BLK
    return pl.pallas_call(
        _tc_scan_body,
        grid=(grid,),
        in_specs=[
            pl.BlockSpec((1, _KEY_BITS), lambda i: (0, 0)),
            pl.BlockSpec((_BLK, _KEY_BITS), lambda i: (i + sc_blocks, 0)),
        ],
        out_specs=pl.BlockSpec(memory_space=pltpu.SMEM),
        out_shape=jax.ShapeDtypeStruct((1,), jnp.int32),
        scratch_shapes=[pltpu.SMEM((1,), jnp.int32)],
    )(q2, keys)


def _merge_body(comb_sc_ref, comb_tc_ref, values_hbm, out_ref, sem):
    best = jnp.minimum(jnp.min(comb_sc_ref[...]), comb_tc_ref[0])
    idx = jnp.bitwise_and(best, _CAPACITY - 1)
    copy = pltpu.make_async_copy(values_hbm.at[idx], out_ref, sem)
    copy.start()
    copy.wait()


def _merge_gather(comb_sc, comb_tc, values):
    return pl.pallas_call(
        _merge_body,
        in_specs=[
            pl.BlockSpec(memory_space=pltpu.VMEM),
            pl.BlockSpec(memory_space=pltpu.SMEM),
            pl.BlockSpec(memory_space=pltpu.MemorySpace.HBM),
        ],
        out_specs=pl.BlockSpec(memory_space=pltpu.VMEM),
        out_shape=jax.ShapeDtypeStruct((_VALUE_BITS,), jnp.float32),
        scratch_shapes=[pltpu.SemaphoreType.DMA],
    )(comb_sc, comb_tc, values)


def kernel(query, keys, values):
    comb_sc = _sc_scan(query, keys)
    comb_tc = _tc_scan(query, keys)
    return _merge_gather(comb_sc, comb_tc, values)

# --- scband reference (transcript-rebuilt; emitter-appended) ---
"""Pipeline reference for scband-xorcontent-addressable-memory-60035052863706 (READ-ONLY COPY).

The authoritative reference and input builder live on the scoring server;
editing this copy changes nothing except your own understanding.
"""

import jax, jax.numpy as jnp
import numpy as np


def setup_inputs(seed: int = 0) -> dict:
    key = jax.random.key(seed)
    k1, k2, k3 = jax.random.split(key, 3)
    capacity = 16384
    key_bits = 2048
    value_bits = 2048
    query = jax.random.randint(k1, (key_bits,), 0, 2, dtype=jnp.int32)
    keys = jax.random.randint(k2, (capacity, key_bits), 0, 2, dtype=jnp.int32)
    values = jax.random.uniform(k3, (capacity, value_bits), dtype=jnp.float32)
    return {"query": query, "keys": keys, "values": values}


def reference(query, keys, values):
    # XORContentAddressableMemory.read: find stored key with highest Hamming
    # similarity to query, return its value. Python loop over self.keys is
    # vectorized as a batched XOR + popcount-sum + argmax (argmax returns the
    # first index on ties, matching the strict '>' update in the loop).
    key_bits = keys.shape[1]
    q = jnp.squeeze(query)
    xor = jnp.bitwise_xor(q[None, :], keys)          # [capacity, key_bits]
    sim = key_bits - jnp.sum(xor, axis=1)            # Hamming similarity per key
    best_idx = jnp.argmax(sim)                       # first max, like the loop
    return jnp.take(values, best_idx, axis=0)        # [value_bits]

if __name__ == "__main__":
    import jax
    _d = setup_inputs()
    print(jax.jit(kernel)(*tuple(_d.values())))

</pallas_src>

<mosaic_0001>
#map = affine_map<(d0, d1) -> (0)>
#map1 = affine_map<(d0, d1) -> (0, 0)>
module attributes {stable_mosaic.version = 14 : i64} {
  func.func @_sc_scan_body(%arg0: i32, %arg1: i32, %arg2: memref<2048xi32, #tpu.memory_space<hbm>>, %arg3: memref<16384x2048xi32, #tpu.memory_space<hbm>>, %arg4: memref<32x16xi32, #tpu.memory_space<hbm>>, %arg5: memref<2048xi32, #tpu.memory_space<vmem>>, %arg6: memref<2x16x2048xi32, #tpu.memory_space<vmem>>, %arg7: memref<16xi32, #tpu.memory_space<vmem>>, %arg8: memref<!tpu.dma_semaphore, #tpu.memory_space<semaphore_mem>>, %arg9: memref<!tpu.dma_semaphore, #tpu.memory_space<semaphore_mem>>) attributes {dimension_semantics = [#tpu.dimension_semantics<core_parallel>, #tpu.dimension_semantics<subcore_parallel>], iteration_bounds = array<i64: 2, 16>, scalar_prefetch = 0 : i64, scratch_operands = 5 : i64, tpu.core_type = #tpu.core_type<sc_vector_subcore>, window_params = [{transform_indices = #map}, {transform_indices = #map1}, {transform_indices = #map1}]} {
    %mul3A = arith.constant 2 : i32
    %mul3A_0 = arith.muli %arg1, %mul3A : i32
    %add3A = arith.addi %mul3A_0, %arg0 : i32
    %mul3A_1 = arith.constant 192 : i32
    %mul3A_2 = arith.muli %add3A, %mul3A_1 : i32
    "tpu.region"() ({
      %run_scoped3A = tpu.sem_alloc : memref<!tpu.dma_semaphore, #tpu.memory_space<semaphore_mem>>
      tpu.enqueue_dma source(%arg2 : memref<2048xi32, #tpu.memory_space<hbm>>) target(%arg5 : memref<2048xi32, #tpu.memory_space<vmem>>) target_semaphore(%run_scoped3A : memref<!tpu.dma_semaphore, #tpu.memory_space<semaphore_mem>>)
      tpu.wait_dma2 semaphore(%run_scoped3A : memref<!tpu.dma_semaphore, #tpu.memory_space<semaphore_mem>>) src(%arg2 : memref<2048xi32, #tpu.memory_space<hbm>>) dst(%arg5 : memref<2048xi32, #tpu.memory_space<vmem>>)
      tpu.yield
    }) : () -> ()
    %add3A_3 = arith.constant 0 : i32
    %add3A_4 = arith.addi %mul3A_2, %add3A_3 : i32
    %dma_start3A = arith.constant 0 : i32
    %dma_start3A_5 = arith.constant 0 : i32
    %dma_start3A_6 = arith.constant 0 : i32
    %dma_start3A_7 = tpu.memref_slice %arg6[%dma_start3A, %dma_start3A_5, %dma_start3A_6] : memref<2x16x2048xi32, #tpu.memory_space<vmem>> -> memref<1x16x2048xi32, #tpu.memory_space<vmem>>
    %dma_start3A_8 = tpu.memref_squeeze %dma_start3A_7 : memref<1x16x2048xi32, #tpu.memory_space<vmem>> -> memref<16x2048xi32, #tpu.memory_space<vmem>>
    %dma_start3A_9 = arith.constant 0 : i32
    %dma_start3A_10 = tpu.memref_slice %arg3[%add3A_4, %dma_start3A_9] : memref<16384x2048xi32, #tpu.memory_space<hbm>> -> memref<16x2048xi32, #tpu.memory_space<hbm>>
    %dma_start3A_11 = arith.constant 0 : i32
    %dma_start3A_12 = arith.constant 0 : i32
    %dma_start3A_13 = tpu.memref_slice %arg6[%dma_start3A, %dma_start3A_11, %dma_start3A_12] : memref<2x16x2048xi32, #tpu.memory_space<vmem>> -> memref<1x16x2048xi32, #tpu.memory_space<vmem>>
    %dma_start3A_14 = tpu.memref_squeeze %dma_start3A_13 : memref<1x16x2048xi32, #tpu.memory_space<vmem>> -> memref<16x2048xi32, #tpu.memory_space<vmem>>
    %dma_start3A_15 = arith.constant 0 : i32
    %dma_start3A_16 = tpu.memref_slice %arg3[%add3A_4, %dma_start3A_15] : memref<16384x2048xi32, #tpu.memory_space<hbm>> -> memref<16x2048xi32, #tpu.memory_space<hbm>>
    tpu.enqueue_dma source(%dma_start3A_16 : memref<16x2048xi32, #tpu.memory_space<hbm>>) target(%dma_start3A_14 : memref<16x2048xi32, #tpu.memory_space<vmem>>) target_semaphore(%arg8 : memref<!tpu.dma_semaphore, #tpu.memory_space<semaphore_mem>>)
    %broadcast_in_dim3A = arith.constant 1073741824 : i32
    %broadcast_in_dim3A_17 = vector.broadcast %broadcast_in_dim3A : i32 to vector<16xi32>
    %scan3A = arith.constant 0 : i32
    %scan3A_18 = arith.constant 6 : i32
    %scan3A_19 = arith.addi %scan3A, %scan3A_18 : i32
    %scan3A_20 = arith.constant 1 : i32
    %scan3A_21 = scf.for %scan3A_24 = %scan3A to %scan3A_19 step %scan3A_20 iter_args(%scan3A_25 = %broadcast_in_dim3A_17) -> (vector<16xi32>)  : i32 {
      %mul3A_26 = arith.constant 2 : i32
      %mul3A_27 = arith.muli %scan3A_24, %mul3A_26 : i32
      %add3A_28 = arith.constant 0 : i32
      %add3A_29 = arith.addi %mul3A_27, %add3A_28 : i32
      %add3A_30 = arith.constant 1 : i32
      %add3A_31 = arith.addi %add3A_29, %add3A_30 : i32
      %lt3A = arith.constant 12 : i32
      %lt3A_32 = arith.cmpi slt, %add3A_31, %lt3A : i32
      %convert_element_type3A = arith.extui %lt3A_32 : i1 to i32
      %cond3A = arith.constant 0 : i32
      %cond3A_33 = arith.cmpi ne, %convert_element_type3A, %cond3A : i32
      scf.if %cond3A_33 {
        %add3A_353 = arith.constant 1 : i32
        %add3A_354 = arith.addi %add3A_29, %add3A_353 : i32
        %mul3A_355 = arith.constant 16 : i32
        %mul3A_356 = arith.muli %add3A_354, %mul3A_355 : i32
        %add3A_357 = arith.addi %mul3A_2, %mul3A_356 : i32
        %dma_start3A_358 = arith.constant 1 : i32
        %dma_start3A_359 = arith.constant 0 : i32
        %dma_start3A_360 = arith.constant 0 : i32
        %dma_start3A_361 = tpu.memref_slice %arg6[%dma_start3A_358, %dma_start3A_359, %dma_start3A_360] : memref<2x16x2048xi32, #tpu.memory_space<vmem>> -> memref<1x16x2048xi32, #tpu.memory_space<vmem>>
        %dma_start3A_362 = tpu.memref_squeeze %dma_start3A_361 : memref<1x16x2048xi32, #tpu.memory_space<vmem>> -> memref<16x2048xi32, #tpu.memory_space<vmem>>
        %dma_start3A_363 = arith.constant 0 : i32
        %dma_start3A_364 = tpu.memref_slice %arg3[%add3A_357, %dma_start3A_363] : memref<16384x2048xi32, #tpu.memory_space<hbm>> -> memref<16x2048xi32, #tpu.memory_space<hbm>>
        %dma_start3A_365 = arith.constant 0 : i32
        %dma_start3A_366 = arith.constant 0 : i32
        %dma_start3A_367 = tpu.memref_slice %arg6[%dma_start3A_358, %dma_start3A_365, %dma_start3A_366] : memref<2x16x2048xi32, #tpu.memory_space<vmem>> -> memref<1x16x2048xi32, #tpu.memory_space<vmem>>
        %dma_start3A_368 = tpu.memref_squeeze %dma_start3A_367 : memref<1x16x2048xi32, #tpu.memory_space<vmem>> -> memref<16x2048xi32, #tpu.memory_space<vmem>>
        %dma_start3A_369 = arith.constant 0 : i32
        %dma_start3A_370 = tpu.memref_slice %arg3[%add3A_357, %dma_start3A_369] : memref<16384x2048xi32, #tpu.memory_space<hbm>> -> memref<16x2048xi32, #tpu.memory_space<hbm>>
        tpu.enqueue_dma source(%dma_start3A_370 : memref<16x2048xi32, #tpu.memory_space<hbm>>) target(%dma_start3A_368 : memref<16x2048xi32, #tpu.memory_space<vmem>>) target_semaphore(%arg9 : memref<!tpu.dma_semaphore, #tpu.memory_space<semaphore_mem>>)
      } else {
      }
      %mul3A_34 = arith.constant 16 : i32
      %mul3A_35 = arith.muli %add3A_29, %mul3A_34 : i32
      %add3A_36 = arith.addi %mul3A_2, %mul3A_35 : i32
      %dma_wait3A = arith.constant 0 : i32
      %dma_wait3A_37 = arith.constant 0 : i32
      %dma_wait3A_38 = arith.constant 0 : i32
      %dma_wait3A_39 = tpu.memref_slice %arg6[%dma_wait3A, %dma_wait3A_37, %dma_wait3A_38] : memref<2x16x2048xi32, #tpu.memory_space<vmem>> -> memref<1x16x2048xi32, #tpu.memory_space<vmem>>
      %dma_wait3A_40 = tpu.memref_squeeze %dma_wait3A_39 : memref<1x16x2048xi32, #tpu.memory_space<vmem>> -> memref<16x2048xi32, #tpu.memory_space<vmem>>
      %dma_wait3A_41 = arith.constant 0 : i32
      %dma_wait3A_42 = tpu.memref_slice %arg3[%add3A_36, %dma_wait3A_41] : memref<16384x2048xi32, #tpu.memory_space<hbm>> -> memref<16x2048xi32, #tpu.memory_space<hbm>>
      %dma_wait3A_43 = arith.constant 0 : i32
      %dma_wait3A_44 = arith.constant 0 : i32
      %dma_wait3A_45 = tpu.memref_slice %arg6[%dma_wait3A, %dma_wait3A_43, %dma_wait3A_44] : memref<2x16x2048xi32, #tpu.memory_space<vmem>> -> memref<1x16x2048xi32, #tpu.memory_space<vmem>>
      %dma_wait3A_46 = tpu.memref_squeeze %dma_wait3A_45 : memref<1x16x2048xi32, #tpu.memory_space<vmem>> -> memref<16x2048xi32, #tpu.memory_space<vmem>>
      %dma_wait3A_47 = arith.constant 0 : i32
      %dma_wait3A_48 = tpu.memref_slice %arg3[%add3A_36, %dma_wait3A_47] : memref<16384x2048xi32, #tpu.memory_space<hbm>> -> memref<16x2048xi32, #tpu.memory_space<hbm>>
      tpu.wait_dma2 semaphore(%arg8 : memref<!tpu.dma_semaphore, #tpu.memory_space<semaphore_mem>>) src(%dma_wait3A_48 : memref<16x2048xi32, #tpu.memory_space<hbm>>) dst(%dma_wait3A_46 : memref<16x2048xi32, #tpu.memory_space<vmem>>)
      %broadcast_in_dim3A_49 = arith.constant 0 : i32
      %broadcast_in_dim3A_50 = vector.broadcast %broadcast_in_dim3A_49 : i32 to vector<16xi32>
      %scan3A_51 = arith.constant 0 : i32
      %scan3A_52 = arith.constant 64 : i32
      %scan3A_53 = arith.addi %scan3A_51, %scan3A_52 : i32
      %scan3A_54 = arith.constant 1 : i32
      %scan3A_55:16 = scf.for %scan3A_353 = %scan3A_51 to %scan3A_53 step %scan3A_54 iter_args(%scan3A_354 = %broadcast_in_dim3A_50, %scan3A_355 = %broadcast_in_dim3A_50, %scan3A_356 = %broadcast_in_dim3A_50, %scan3A_357 = %broadcast_in_dim3A_50, %scan3A_358 = %broadcast_in_dim3A_50, %scan3A_359 = %broadcast_in_dim3A_50, %scan3A_360 = %broadcast_in_dim3A_50, %scan3A_361 = %broadcast_in_dim3A_50, %scan3A_362 = %broadcast_in_dim3A_50, %scan3A_363 = %broadcast_in_dim3A_50, %scan3A_364 = %broadcast_in_dim3A_50, %scan3A_365 = %broadcast_in_dim3A_50, %scan3A_366 = %broadcast_in_dim3A_50, %scan3A_367 = %broadcast_in_dim3A_50, %scan3A_368 = %broadcast_in_dim3A_50, %scan3A_369 = %broadcast_in_dim3A_50) -> (vector<16xi32>, vector<16xi32>, vector<16xi32>, vector<16xi32>, vector<16xi32>, vector<16xi32>, vector<16xi32>, vector<16xi32>, vector<16xi32>, vector<16xi32>, vector<16xi32>, vector<16xi32>, vector<16xi32>, vector<16xi32>, vector<16xi32>, vector<16xi32>)  : i32 {
        %mul3A_370 = arith.constant 2 : i32
        %mul3A_371 = arith.muli %scan3A_353, %mul3A_370 : i32
        %add3A_372 = arith.constant 0 : i32
        %add3A_373 = arith.addi %mul3A_371, %add3A_372 : i32
        %mul3A_374 = arith.constant 16 : i32
        %mul3A_375 = arith.muli %add3A_373, %mul3A_374 : i32
        %get3A = arith.index_cast %mul3A_375 : i32 to index
        %get3A_376 = tpu.vector_load %arg5[%get3A] {strides = array<i32>} : memref<2048xi32, #tpu.memory_space<vmem>>, vector<16xi32>,
        %get3A_377 = arith.constant 0 : i32
        %get3A_378 = arith.constant 0 : i32
        %get3A_379 = arith.index_cast %get3A_377 : i32 to index
        %get3A_380 = arith.index_cast %get3A_378 : i32 to index
        %get3A_381 = arith.index_cast %mul3A_375 : i32 to index
        %get3A_382 = tpu.vector_load %arg6[%get3A_379, %get3A_380, %get3A_381] {strides = array<i32>} : memref<2x16x2048xi32, #tpu.memory_space<vmem>>, vector<16xi32>,
        %ne3A = arith.cmpi ne, %get3A_382, %get3A_376 : vector<16xi32>
        %all_reduce_population_count3A = tpu.all_reduce %ne3A {dim = 0 : i64, kind = #tpu.reduction_kind<sum>} : vector<16xi1> -> vector<16xi32>
        %add3A_383 = arith.addi %scan3A_354, %all_reduce_population_count3A : vector<16xi32>
        %get3A_384 = arith.constant 0 : i32
        %get3A_385 = arith.constant 1 : i32
        %get3A_386 = arith.index_cast %get3A_384 : i32 to index
        %get3A_387 = arith.index_cast %get3A_385 : i32 to index
        %get3A_388 = arith.index_cast %mul3A_375 : i32 to index
        %get3A_389 = tpu.vector_load %arg6[%get3A_386, %get3A_387, %get3A_388] {strides = array<i32>} : memref<2x16x2048xi32, #tpu.memory_space<vmem>>, vector<16xi32>,
        %ne3A_390 = arith.cmpi ne, %get3A_389, %get3A_376 : vector<16xi32>
        %all_reduce_population_count3A_391 = tpu.all_reduce %ne3A_390 {dim = 0 : i64, kind = #tpu.reduction_kind<sum>} : vector<16xi1> -> vector<16xi32>
        %add3A_392 = arith.addi %scan3A_355, %all_reduce_population_count3A_391 : vector<16xi32>
        %get3A_393 = arith.constant 0 : i32
        %get3A_394 = arith.constant 2 : i32
        %get3A_395 = arith.index_cast %get3A_393 : i32 to index
        %get3A_396 = arith.index_cast %get3A_394 : i32 to index
        %get3A_397 = arith.index_cast %mul3A_375 : i32 to index
        %get3A_398 = tpu.vector_load %arg6[%get3A_395, %get3A_396, %get3A_397] {strides = array<i32>} : memref<2x16x2048xi32, #tpu.memory_space<vmem>>, vector<16xi32>,
        %ne3A_399 = arith.cmpi ne, %get3A_398, %get3A_376 : vector<16xi32>
        %all_reduce_population_count3A_400 = tpu.all_reduce %ne3A_399 {dim = 0 : i64, kind = #tpu.reduction_kind<sum>} : vector<16xi1> -> vector<16xi32>
        %add3A_401 = arith.addi %scan3A_356, %all_reduce_population_count3A_400 : vector<16xi32>
        %get3A_402 = arith.constant 0 : i32
        %get3A_403 = arith.constant 3 : i32
        %get3A_404 = arith.index_cast %get3A_402 : i32 to index
        %get3A_405 = arith.index_cast %get3A_403 : i32 to index
        %get3A_406 = arith.index_cast %mul3A_375 : i32 to index
        %get3A_407 = tpu.vector_load %arg6[%get3A_404, %get3A_405, %get3A_406] {strides = array<i32>} : memref<2x16x2048xi32, #tpu.memory_space<vmem>>, vector<16xi32>,
        %ne3A_408 = arith.cmpi ne, %get3A_407, %get3A_376 : vector<16xi32>
        %all_reduce_population_count3A_409 = tpu.all_reduce %ne3A_408 {dim = 0 : i64, kind = #tpu.reduction_kind<sum>} : vector<16xi1> -> vector<16xi32>
        %add3A_410 = arith.addi %scan3A_357, %all_reduce_population_count3A_409 : vector<16xi32>
        %get3A_411 = arith.constant 0 : i32
        %get3A_412 = arith.constant 4 : i32
        %get3A_413 = arith.index_cast %get3A_411 : i32 to index
        %get3A_414 = arith.index_cast %get3A_412 : i32 to index
        %get3A_415 = arith.index_cast %mul3A_375 : i32 to index
        %get3A_416 = tpu.vector_load %arg6[%get3A_413, %get3A_414, %get3A_415] {strides = array<i32>} : memref<2x16x2048xi32, #tpu.memory_space<vmem>>, vector<16xi32>,
        %ne3A_417 = arith.cmpi ne, %get3A_416, %get3A_376 : vector<16xi32>
        %all_reduce_population_count3A_418 = tpu.all_reduce %ne3A_417 {dim = 0 : i64, kind = #tpu.reduction_kind<sum>} : vector<16xi1> -> vector<16xi32>
        %add3A_419 = arith.addi %scan3A_358, %all_reduce_population_count3A_418 : vector<16xi32>
        %get3A_420 = arith.constant 0 : i32
        %get3A_421 = arith.constant 5 : i32
        %get3A_422 = arith.index_cast %get3A_420 : i32 to index
        %get3A_423 = arith.index_cast %get3A_421 : i32 to index
        %get3A_424 = arith.index_cast %mul3A_375 : i32 to index
        %get3A_425 = tpu.vector_load %arg6[%get3A_422, %get3A_423, %get3A_424] {strides = array<i32>} : memref<2x16x2048xi32, #tpu.memory_space<vmem>>, vector<16xi32>,
        %ne3A_426 = arith.cmpi ne, %get3A_425, %get3A_376 : vector<16xi32>
        %all_reduce_population_count3A_427 = tpu.all_reduce %ne3A_426 {dim = 0 : i64, kind = #tpu.reduction_kind<sum>} : vector<16xi1> -> vector<16xi32>
        %add3A_428 = arith.addi %scan3A_359, %all_reduce_population_count3A_427 : vector<16xi32>
        %get3A_429 = arith.constant 0 : i32
        %get3A_430 = arith.constant 6 : i32
        %get3A_431 = arith.index_cast %get3A_429 : i32 to index
        %get3A_432 = arith.index_cast %get3A_430 : i32 to index
        %get3A_433 = arith.index_cast %mul3A_375 : i32 to index
        %get3A_434 = tpu.vector_load %arg6[%get3A_431, %get3A_432, %get3A_433] {strides = array<i32>} : memref<2x16x2048xi32, #tpu.memory_space<vmem>>, vector<16xi32>,
        %ne3A_435 = arith.cmpi ne, %get3A_434, %get3A_376 : vector<16xi32>
        %all_reduce_population_count3A_436 = tpu.all_reduce %ne3A_435 {dim = 0 : i64, kind = #tpu.reduction_kind<sum>} : vector<16xi1> -> vector<16xi32>
        %add3A_437 = arith.addi %scan3A_360, %all_reduce_population_count3A_436 : vector<16xi32>
        %get3A_438 = arith.constant 0 : i32
        %get3A_439 = arith.constant 7 : i32
        %get3A_440 = arith.index_cast %get3A_438 : i32 to index
        %get3A_441 = arith.index_cast %get3A_439 : i32 to index
        %get3A_442 = arith.index_cast %mul3A_375 : i32 to index
        %get3A_443 = tpu.vector_load %arg6[%get3A_440, %get3A_441, %get3A_442] {strides = array<i32>} : memref<2x16x2048xi32, #tpu.memory_space<vmem>>, vector<16xi32>,
        %ne3A_444 = arith.cmpi ne, %get3A_443, %get3A_376 : vector<16xi32>
        %all_reduce_population_count3A_445 = tpu.all_reduce %ne3A_444 {dim = 0 : i64, kind = #tpu.reduction_kind<sum>} : vector<16xi1> -> vector<16xi32>
        %add3A_446 = arith.addi %scan3A_361, %all_reduce_population_count3A_445 : vector<16xi32>
        %get3A_447 = arith.constant 0 : i32
        %get3A_448 = arith.constant 8 : i32
        %get3A_449 = arith.index_cast %get3A_447 : i32 to index
        %get3A_450 = arith.index_cast %get3A_448 : i32 to index
        %get3A_451 = arith.index_cast %mul3A_375 : i32 to index
        %get3A_452 = tpu.vector_load %arg6[%get3A_449, %get3A_450, %get3A_451] {strides = array<i32>} : memref<2x16x2048xi32, #tpu.memory_space<vmem>>, vector<16xi32>,
        %ne3A_453 = arith.cmpi ne, %get3A_452, %get3A_376 : vector<16xi32>
        %all_reduce_population_count3A_454 = tpu.all_reduce %ne3A_453 {dim = 0 : i64, kind = #tpu.reduction_kind<sum>} : vector<16xi1> -> vector<16xi32>
        %add3A_455 = arith.addi %scan3A_362, %all_reduce_population_count3A_454 : vector<16xi32>
        %get3A_456 = arith.constant 0 : i32
        %get3A_457 = arith.constant 9 : i32
        %get3A_458 = arith.index_cast %get3A_456 : i32 to index
        %get3A_459 = arith.index_cast %get3A_457 : i32 to index
        %get3A_460 = arith.index_cast %mul3A_375 : i32 to index
        %get3A_461 = tpu.vector_load %arg6[%get3A_458, %get3A_459, %get3A_460] {strides = array<i32>} : memref<2x16x2048xi32, #tpu.memory_space<vmem>>, vector<16xi32>,
        %ne3A_462 = arith.cmpi ne, %get3A_461, %get3A_376 : vector<16xi32>
        %all_reduce_population_count3A_463 = tpu.all_reduce %ne3A_462 {dim = 0 : i64, kind = #tpu.reduction_kind<sum>} : vector<16xi1> -> vector<16xi32>
        %add3A_464 = arith.addi %scan3A_363, %all_reduce_population_count3A_463 : vector<16xi32>
        %get3A_465 = arith.constant 0 : i32
        %get3A_466 = arith.constant 10 : i32
        %get3A_467 = arith.index_cast %get3A_465 : i32 to index
        %get3A_468 = arith.index_cast %get3A_466 : i32 to index
        %get3A_469 = arith.index_cast %mul3A_375 : i32 to index
        %get3A_470 = tpu.vector_load %arg6[%get3A_467, %get3A_468, %get3A_469] {strides = array<i32>} : memref<2x16x2048xi32, #tpu.memory_space<vmem>>, vector<16xi32>,
        %ne3A_471 = arith.cmpi ne, %get3A_470, %get3A_376 : vector<16xi32>
        %all_reduce_population_count3A_472 = tpu.all_reduce %ne3A_471 {dim = 0 : i64, kind = #tpu.reduction_kind<sum>} : vector<16xi1> -> vector<16xi32>
        %add3A_473 = arith.addi %scan3A_364, %all_reduce_population_count3A_472 : vector<16xi32>
        %get3A_474 = arith.constant 0 : i32
        %get3A_475 = arith.constant 11 : i32
        %get3A_476 = arith.index_cast %get3A_474 : i32 to index
        %get3A_477 = arith.index_cast %get3A_475 : i32 to index
        %get3A_478 = arith.index_cast %mul3A_375 : i32 to index
        %get3A_479 = tpu.vector_load %arg6[%get3A_476, %get3A_477, %get3A_478] {strides = array<i32>} : memref<2x16x2048xi32, #tpu.memory_space<vmem>>, vector<16xi32>,
        %ne3A_480 = arith.cmpi ne, %get3A_479, %get3A_376 : vector<16xi32>
        %all_reduce_population_count3A_481 = tpu.all_reduce %ne3A_480 {dim = 0 : i64, kind = #tpu.reduction_kind<sum>} : vector<16xi1> -> vector<16xi32>
        %add3A_482 = arith.addi %scan3A_365, %all_reduce_population_count3A_481 : vector<16xi32>
        %get3A_483 = arith.constant 0 : i32
        %get3A_484 = arith.constant 12 : i32
        %get3A_485 = arith.index_cast %get3A_483 : i32 to index
        %get3A_486 = arith.index_cast %get3A_484 : i32 to index
        %get3A_487 = arith.index_cast %mul3A_375 : i32 to index
        %get3A_488 = tpu.vector_load %arg6[%get3A_485, %get3A_486, %get3A_487] {strides = array<i32>} : memref<2x16x2048xi32, #tpu.memory_space<vmem>>, vector<16xi32>,
        %ne3A_489 = arith.cmpi ne, %get3A_488, %get3A_376 : vector<16xi32>
        %all_reduce_population_count3A_490 = tpu.all_reduce %ne3A_489 {dim = 0 : i64, kind = #tpu.reduction_kind<sum>} : vector<16xi1> -> vector<16xi32>
        %add3A_491 = arith.addi %scan3A_366, %all_reduce_population_count3A_490 : vector<16xi32>
        %get3A_492 = arith.constant 0 : i32
        %get3A_493 = arith.constant 13 : i32
        %get3A_494 = arith.index_cast %get3A_492 : i32 to index
        %get3A_495 = arith.index_cast %get3A_493 : i32 to index
        %get3A_496 = arith.index_cast %mul3A_375 : i32 to index
        %get3A_497 = tpu.vector_load %arg6[%get3A_494, %get3A_495, %get3A_496] {strides = array<i32>} : memref<2x16x2048xi32, #tpu.memory_space<vmem>>, vector<16xi32>,
        %ne3A_498 = arith.cmpi ne, %get3A_497, %get3A_376 : vector<16xi32>
        %all_reduce_population_count3A_499 = tpu.all_reduce %ne3A_498 {dim = 0 : i64, kind = #tpu.reduction_kind<sum>} : vector<16xi1> -> vector<16xi32>
        %add3A_500 = arith.addi %scan3A_367, %all_reduce_population_count3A_499 : vector<16xi32>
        %get3A_501 = arith.constant 0 : i32
        %get3A_502 = arith.constant 14 : i32
        %get3A_503 = arith.index_cast %get3A_501 : i32 to index
        %get3A_504 = arith.index_cast %get3A_502 : i32 to index
        %get3A_505 = arith.index_cast %mul3A_375 : i32 to index
        %get3A_506 = tpu.vector_load %arg6[%get3A_503, %get3A_504, %get3A_505] {strides = array<i32>} : memref<2x16x2048xi32, #tpu.memory_space<vmem>>, vector<16xi32>,
        %ne3A_507 = arith.cmpi ne, %get3A_506, %get3A_376 : vector<16xi32>
        %all_reduce_population_count3A_508 = tpu.all_reduce %ne3A_507 {dim = 0 : i64, kind = #tpu.reduction_kind<sum>} : vector<16xi1> -> vector<16xi32>
        %add3A_509 = arith.addi %scan3A_368, %all_reduce_population_count3A_508 : vector<16xi32>
        %get3A_510 = arith.constant 0 : i32
        %get3A_511 = arith.constant 15 : i32
        %get3A_512 = arith.index_cast %get3A_510 : i32 to index
        %get3A_513 = arith.index_cast %get3A_511 : i32 to index
        %get3A_514 = arith.index_cast %mul3A_375 : i32 to index
        %get3A_515 = tpu.vector_load %arg6[%get3A_512, %get3A_513, %get3A_514] {strides = array<i32>} : memref<2x16x2048xi32, #tpu.memory_space<vmem>>, vector<16xi32>,
        %ne3A_516 = arith.cmpi ne, %get3A_515, %get3A_376 : vector<16xi32>
        %all_reduce_population_count3A_517 = tpu.all_reduce %ne3A_516 {dim = 0 : i64, kind = #tpu.reduction_kind<sum>} : vector<16xi1> -> vector<16xi32>
        %add3A_518 = arith.addi %scan3A_369, %all_reduce_population_count3A_517 : vector<16xi32>
        %mul3A_519 = arith.constant 2 : i32
        %mul3A_520 = arith.muli %scan3A_353, %mul3A_519 : i32
        %add3A_521 = arith.constant 1 : i32
        %add3A_522 = arith.addi %mul3A_520, %add3A_521 : i32
        %mul3A_523 = arith.constant 16 : i32
        %mul3A_524 = arith.muli %add3A_522, %mul3A_523 : i32
        %get3A_525 = arith.index_cast %mul3A_524 : i32 to index
        %get3A_526 = tpu.vector_load %arg5[%get3A_525] {strides = array<i32>} : memref<2048xi32, #tpu.memory_space<vmem>>, vector<16xi32>,
        %get3A_527 = arith.constant 0 : i32
        %get3A_528 = arith.constant 0 : i32
        %get3A_529 = arith.index_cast %get3A_527 : i32 to index
        %get3A_530 = arith.index_cast %get3A_528 : i32 to index
        %get3A_531 = arith.index_cast %mul3A_524 : i32 to index
        %get3A_532 = tpu.vector_load %arg6[%get3A_529, %get3A_530, %get3A_531] {strides = array<i32>} : memref<2x16x2048xi32, #tpu.memory_space<vmem>>, vector<16xi32>,
        %ne3A_533 = arith.cmpi ne, %get3A_532, %get3A_526 : vector<16xi32>
        %all_reduce_population_count3A_534 = tpu.all_reduce %ne3A_533 {dim = 0 : i64, kind = #tpu.reduction_kind<sum>} : vector<16xi1> -> vector<16xi32>
        %add3A_535 = arith.addi %add3A_383, %all_reduce_population_count3A_534 : vector<16xi32>
        %get3A_536 = arith.constant 0 : i32
        %get3A_537 = arith.constant 1 : i32
        %get3A_538 = arith.index_cast %get3A_536 : i32 to index
        %get3A_539 = arith.index_cast %get3A_537 : i32 to index
        %get3A_540 = arith.index_cast %mul3A_524 : i32 to index
        %get3A_541 = tpu.vector_load %arg6[%get3A_538, %get3A_539, %get3A_540] {strides = array<i32>} : memref<2x16x2048xi32, #tpu.memory_space<vmem>>, vector<16xi32>,
        %ne3A_542 = arith.cmpi ne, %get3A_541, %get3A_526 : vector<16xi32>
        %all_reduce_population_count3A_543 = tpu.all_reduce %ne3A_542 {dim = 0 : i64, kind = #tpu.reduction_kind<sum>} : vector<16xi1> -> vector<16xi32>
        %add3A_544 = arith.addi %add3A_392, %all_reduce_population_count3A_543 : vector<16xi32>
        %get3A_545 = arith.constant 0 : i32
        %get3A_546 = arith.constant 2 : i32
        %get3A_547 = arith.index_cast %get3A_545 : i32 to index
        %get3A_548 = arith.index_cast %get3A_546 : i32 to index
        %get3A_549 = arith.index_cast %mul3A_524 : i32 to index
        %get3A_550 = tpu.vector_load %arg6[%get3A_547, %get3A_548, %get3A_549] {strides = array<i32>} : memref<2x16x2048xi32, #tpu.memory_space<vmem>>, vector<16xi32>,
        %ne3A_551 = arith.cmpi ne, %get3A_550, %get3A_526 : vector<16xi32>
        %all_reduce_population_count3A_552 = tpu.all_reduce %ne3A_551 {dim = 0 : i64, kind = #tpu.reduction_kind<sum>} : vector<16xi1> -> vector<16xi32>
        %add3A_553 = arith.addi %add3A_401, %all_reduce_population_count3A_552 : vector<16xi32>
        %get3A_554 = arith.constant 0 : i32
        %get3A_555 = arith.constant 3 : i32
        %get3A_556 = arith.index_cast %get3A_554 : i32 to index
        %get3A_557 = arith.index_cast %get3A_555 : i32 to index
        %get3A_558 = arith.index_cast %mul3A_524 : i32 to index
        %get3A_559 = tpu.vector_load %arg6[%get3A_556, %get3A_557, %get3A_558] {strides = array<i32>} : memref<2x16x2048xi32, #tpu.memory_space<vmem>>, vector<16xi32>,
        %ne3A_560 = arith.cmpi ne, %get3A_559, %get3A_526 : vector<16xi32>
        %all_reduce_population_count3A_561 = tpu.all_reduce %ne3A_560 {dim = 0 : i64, kind = #tpu.reduction_kind<sum>} : vector<16xi1> -> vector<16xi32>
        %add3A_562 = arith.addi %add3A_410, %all_reduce_population_count3A_561 : vector<16xi32>
        %get3A_563 = arith.constant 0 : i32
        %get3A_564 = arith.constant 4 : i32
        %get3A_565 = arith.index_cast %get3A_563 : i32 to index
        %get3A_566 = arith.index_cast %get3A_564 : i32 to index
        %get3A_567 = arith.index_cast %mul3A_524 : i32 to index
        %get3A_568 = tpu.vector_load %arg6[%get3A_565, %get3A_566, %get3A_567] {strides = array<i32>} : memref<2x16x2048xi32, #tpu.memory_space<vmem>>, vector<16xi32>,
        %ne3A_569 = arith.cmpi ne, %get3A_568, %get3A_526 : vector<16xi32>
        %all_reduce_population_count3A_570 = tpu.all_reduce %ne3A_569 {dim = 0 : i64, kind = #tpu.reduction_kind<sum>} : vector<16xi1> -> vector<16xi32>
        %add3A_571 = arith.addi %add3A_419, %all_reduce_population_count3A_570 : vector<16xi32>
        %get3A_572 = arith.constant 0 : i32
        %get3A_573 = arith.constant 5 : i32
        %get3A_574 = arith.index_cast %get3A_572 : i32 to index
        %get3A_575 = arith.index_cast %get3A_573 : i32 to index
        %get3A_576 = arith.index_cast %mul3A_524 : i32 to index
        %get3A_577 = tpu.vector_load %arg6[%get3A_574, %get3A_575, %get3A_576] {strides = array<i32>} : memref<2x16x2048xi32, #tpu.memory_space<vmem>>, vector<16xi32>,
        %ne3A_578 = arith.cmpi ne, %get3A_577, %get3A_526 : vector<16xi32>
        %all_reduce_population_count3A_579 = tpu.all_reduce %ne3A_578 {dim = 0 : i64, kind = #tpu.reduction_kind<sum>} : vector<16xi1> -> vector<16xi32>
        %add3A_580 = arith.addi %add3A_428, %all_reduce_population_count3A_579 : vector<16xi32>
        %get3A_581 = arith.constant 0 : i32
        %get3A_582 = arith.constant 6 : i32
        %get3A_583 = arith.index_cast %get3A_581 : i32 to index
        %get3A_584 = arith.index_cast %get3A_582 : i32 to index
        %get3A_585 = arith.index_cast %mul3A_524 : i32 to index
        %get3A_586 = tpu.vector_load %arg6[%get3A_583, %get3A_584, %get3A_585] {strides = array<i32>} : memref<2x16x2048xi32, #tpu.memory_space<vmem>>, vector<16xi32>,
        %ne3A_587 = arith.cmpi ne, %get3A_586, %get3A_526 : vector<16xi32>
        %all_reduce_population_count3A_588 = tpu.all_reduce %ne3A_587 {dim = 0 : i64, kind = #tpu.reduction_kind<sum>} : vector<16xi1> -> vector<16xi32>
        %add3A_589 = arith.addi %add3A_437, %all_reduce_population_count3A_588 : vector<16xi32>
        %get3A_590 = arith.constant 0 : i32
        %get3A_591 = arith.constant 7 : i32
        %get3A_592 = arith.index_cast %get3A_590 : i32 to index
        %get3A_593 = arith.index_cast %get3A_591 : i32 to index
        %get3A_594 = arith.index_cast %mul3A_524 : i32 to index
        %get3A_595 = tpu.vector_load %arg6[%get3A_592, %get3A_593, %get3A_594] {strides = array<i32>} : memref<2x16x2048xi32, #tpu.memory_space<vmem>>, vector<16xi32>,
        %ne3A_596 = arith.cmpi ne, %get3A_595, %get3A_526 : vector<16xi32>
        %all_reduce_population_count3A_597 = tpu.all_reduce %ne3A_596 {dim = 0 : i64, kind = #tpu.reduction_kind<sum>} : vector<16xi1> -> vector<16xi32>
        %add3A_598 = arith.addi %add3A_446, %all_reduce_population_count3A_597 : vector<16xi32>
        %get3A_599 = arith.constant 0 : i32
        %get3A_600 = arith.constant 8 : i32
        %get3A_601 = arith.index_cast %get3A_599 : i32 to index
        %get3A_602 = arith.index_cast %get3A_600 : i32 to index
        %get3A_603 = arith.index_cast %mul3A_524 : i32 to index
        %get3A_604 = tpu.vector_load %arg6[%get3A_601, %get3A_602, %get3A_603] {strides = array<i32>} : memref<2x16x2048xi32, #tpu.memory_space<vmem>>, vector<16xi32>,
        %ne3A_605 = arith.cmpi ne, %get3A_604, %get3A_526 : vector<16xi32>
        %all_reduce_population_count3A_606 = tpu.all_reduce %ne3A_605 {dim = 0 : i64, kind = #tpu.reduction_kind<sum>} : vector<16xi1> -> vector<16xi32>
        %add3A_607 = arith.addi %add3A_455, %all_reduce_population_count3A_606 : vector<16xi32>
        %get3A_608 = arith.constant 0 : i32
        %get3A_609 = arith.constant 9 : i32
        %get3A_610 = arith.index_cast %get3A_608 : i32 to index
        %get3A_611 = arith.index_cast %get3A_609 : i32 to index
        %get3A_612 = arith.index_cast %mul3A_524 : i32 to index
        %get3A_613 = tpu.vector_load %arg6[%get3A_610, %get3A_611, %get3A_612] {strides = array<i32>} : memref<2x16x2048xi32, #tpu.memory_space<vmem>>, vector<16xi32>,
        %ne3A_614 = arith.cmpi ne, %get3A_613, %get3A_526 : vector<16xi32>
        %all_reduce_population_count3A_615 = tpu.all_reduce %ne3A_614 {dim = 0 : i64, kind = #tpu.reduction_kind<sum>} : vector<16xi1> -> vector<16xi32>
        %add3A_616 = arith.addi %add3A_464, %all_reduce_population_count3A_615 : vector<16xi32>
        %get3A_617 = arith.constant 0 : i32
        %get3A_618 = arith.constant 10 : i32
        %get3A_619 = arith.index_cast %get3A_617 : i32 to index
        %get3A_620 = arith.index_cast %get3A_618 : i32 to index
        %get3A_621 = arith.index_cast %mul3A_524 : i32 to index
        %get3A_622 = tpu.vector_load %arg6[%get3A_619, %get3A_620, %get3A_621] {strides = array<i32>} : memref<2x16x2048xi32, #tpu.memory_space<vmem>>, vector<16xi32>,
        %ne3A_623 = arith.cmpi ne, %get3A_622, %get3A_526 : vector<16xi32>
        %all_reduce_population_count3A_624 = tpu.all_reduce %ne3A_623 {dim = 0 : i64, kind = #tpu.reduction_kind<sum>} : vector<16xi1> -> vector<16xi32>
        %add3A_625 = arith.addi %add3A_473, %all_reduce_population_count3A_624 : vector<16xi32>
        %get3A_626 = arith.constant 0 : i32
        %get3A_627 = arith.constant 11 : i32
        %get3A_628 = arith.index_cast %get3A_626 : i32 to index
        %get3A_629 = arith.index_cast %get3A_627 : i32 to index
        %get3A_630 = arith.index_cast %mul3A_524 : i32 to index
        %get3A_631 = tpu.vector_load %arg6[%get3A_628, %get3A_629, %get3A_630] {strides = array<i32>} : memref<2x16x2048xi32, #tpu.memory_space<vmem>>, vector<16xi32>,
        %ne3A_632 = arith.cmpi ne, %get3A_631, %get3A_526 : vector<16xi32>
        %all_reduce_population_count3A_633 = tpu.all_reduce %ne3A_632 {dim = 0 : i64, kind = #tpu.reduction_kind<sum>} : vector<16xi1> -> vector<16xi32>
        %add3A_634 = arith.addi %add3A_482, %all_reduce_population_count3A_633 : vector<16xi32>
        %get3A_635 = arith.constant 0 : i32
        %get3A_636 = arith.constant 12 : i32
        %get3A_637 = arith.index_cast %get3A_635 : i32 to index
        %get3A_638 = arith.index_cast %get3A_636 : i32 to index
        %get3A_639 = arith.index_cast %mul3A_524 : i32 to index
        %get3A_640 = tpu.vector_load %arg6[%get3A_637, %get3A_638, %get3A_639] {strides = array<i32>} : memref<2x16x2048xi32, #tpu.memory_space<vmem>>, vector<16xi32>,
        %ne3A_641 = arith.cmpi ne, %get3A_640, %get3A_526 : vector<16xi32>
        %all_reduce_population_count3A_642 = tpu.all_reduce %ne3A_641 {dim = 0 : i64, kind = #tpu.reduction_kind<sum>} : vector<16xi1> -> vector<16xi32>
        %add3A_643 = arith.addi %add3A_491, %all_reduce_population_count3A_642 : vector<16xi32>
        %get3A_644 = arith.constant 0 : i32
        %get3A_645 = arith.constant 13 : i32
        %get3A_646 = arith.index_cast %get3A_644 : i32 to index
        %get3A_647 = arith.index_cast %get3A_645 : i32 to index
        %get3A_648 = arith.index_cast %mul3A_524 : i32 to index
        %get3A_649 = tpu.vector_load %arg6[%get3A_646, %get3A_647, %get3A_648] {strides = array<i32>} : memref<2x16x2048xi32, #tpu.memory_space<vmem>>, vector<16xi32>,
        %ne3A_650 = arith.cmpi ne, %get3A_649, %get3A_526 : vector<16xi32>
        %all_reduce_population_count3A_651 = tpu.all_reduce %ne3A_650 {dim = 0 : i64, kind = #tpu.reduction_kind<sum>} : vector<16xi1> -> vector<16xi32>
        %add3A_652 = arith.addi %add3A_500, %all_reduce_population_count3A_651 : vector<16xi32>
        %get3A_653 = arith.constant 0 : i32
        %get3A_654 = arith.constant 14 : i32
        %get3A_655 = arith.index_cast %get3A_653 : i32 to index
        %get3A_656 = arith.index_cast %get3A_654 : i32 to index
        %get3A_657 = arith.index_cast %mul3A_524 : i32 to index
        %get3A_658 = tpu.vector_load %arg6[%get3A_655, %get3A_656, %get3A_657] {strides = array<i32>} : memref<2x16x2048xi32, #tpu.memory_space<vmem>>, vector<16xi32>,
        %ne3A_659 = arith.cmpi ne, %get3A_658, %get3A_526 : vector<16xi32>
        %all_reduce_population_count3A_660 = tpu.all_reduce %ne3A_659 {dim = 0 : i64, kind = #tpu.reduction_kind<sum>} : vector<16xi1> -> vector<16xi32>
        %add3A_661 = arith.addi %add3A_509, %all_reduce_population_count3A_660 : vector<16xi32>
        %get3A_662 = arith.constant 0 : i32
        %get3A_663 = arith.constant 15 : i32
        %get3A_664 = arith.index_cast %get3A_662 : i32 to index
        %get3A_665 = arith.index_cast %get3A_663 : i32 to index
        %get3A_666 = arith.index_cast %mul3A_524 : i32 to index
        %get3A_667 = tpu.vector_load %arg6[%get3A_664, %get3A_665, %get3A_666] {strides = array<i32>} : memref<2x16x2048xi32, #tpu.memory_space<vmem>>, vector<16xi32>,
        %ne3A_668 = arith.cmpi ne, %get3A_667, %get3A_526 : vector<16xi32>
        %all_reduce_population_count3A_669 = tpu.all_reduce %ne3A_668 {dim = 0 : i64, kind = #tpu.reduction_kind<sum>} : vector<16xi1> -> vector<16xi32>
        %add3A_670 = arith.addi %add3A_518, %all_reduce_population_count3A_669 : vector<16xi32>
        scf.yield %add3A_535, %add3A_544, %add3A_553, %add3A_562, %add3A_571, %add3A_580, %add3A_589, %add3A_598, %add3A_607, %add3A_616, %add3A_625, %add3A_634, %add3A_643, %add3A_652, %add3A_661, %add3A_670 : vector<16xi32>, vector<16xi32>, vector<16xi32>, vector<16xi32>, vector<16xi32>, vector<16xi32>, vector<16xi32>, vector<16xi32>, vector<16xi32>, vector<16xi32>, vector<16xi32>, vector<16xi32>, vector<16xi32>, vector<16xi32>, vector<16xi32>, vector<16xi32>
      }
      %scan3A_56 = arith.constant 64 : i32
      %mul3A_57 = arith.constant 16 : i32
      %mul3A_58 = arith.muli %add3A_29, %mul3A_57 : i32
      %add3A_59 = arith.addi %mul3A_2, %mul3A_58 : i32
      %mul3A_60 = arith.constant 16384 : i32
      %mul3A_61 = vector.broadcast %mul3A_60 : i32 to vector<16xi32>
      %mul3A_62 = arith.muli %scan3A_55#0, %mul3A_61 : vector<16xi32>
      %add3A_63 = arith.constant 0 : i32
      %add3A_64 = arith.addi %add3A_59, %add3A_63 : i32
      %add3A_65 = vector.broadcast %add3A_64 : i32 to vector<16xi32>
      %add3A_66 = arith.addi %mul3A_62, %add3A_65 : vector<16xi32>
      %min3A = arith.minsi %scan3A_25, %add3A_66 : vector<16xi32>
      %mul3A_67 = arith.constant 16384 : i32
      %mul3A_68 = vector.broadcast %mul3A_67 : i32 to vector<16xi32>
      %mul3A_69 = arith.muli %scan3A_55#1, %mul3A_68 : vector<16xi32>
      %add3A_70 = arith.constant 1 : i32
      %add3A_71 = arith.addi %add3A_59, %add3A_70 : i32
      %add3A_72 = vector.broadcast %add3A_71 : i32 to vector<16xi32>
      %add3A_73 = arith.addi %mul3A_69, %add3A_72 : vector<16xi32>
      %min3A_74 = arith.minsi %min3A, %add3A_73 : vector<16xi32>
      %mul3A_75 = arith.constant 16384 : i32
      %mul3A_76 = vector.broadcast %mul3A_75 : i32 to vector<16xi32>
      %mul3A_77 = arith.muli %scan3A_55#2, %mul3A_76 : vector<16xi32>
      %add3A_78 = arith.constant 2 : i32
      %add3A_79 = arith.addi %add3A_59, %add3A_78 : i32
      %add3A_80 = vector.broadcast %add3A_79 : i32 to vector<16xi32>
      %add3A_81 = arith.addi %mul3A_77, %add3A_80 : vector<16xi32>
      %min3A_82 = arith.minsi %min3A_74, %add3A_81 : vector<16xi32>
      %mul3A_83 = arith.constant 16384 : i32
      %mul3A_84 = vector.broadcast %mul3A_83 : i32 to vector<16xi32>
      %mul3A_85 = arith.muli %scan3A_55#3, %mul3A_84 : vector<16xi32>
      %add3A_86 = arith.constant 3 : i32
      %add3A_87 = arith.addi %add3A_59, %add3A_86 : i32
      %add3A_88 = vector.broadcast %add3A_87 : i32 to vector<16xi32>
      %add3A_89 = arith.addi %mul3A_85, %add3A_88 : vector<16xi32>
      %min3A_90 = arith.minsi %min3A_82, %add3A_89 : vector<16xi32>
      %mul3A_91 = arith.constant 16384 : i32
      %mul3A_92 = vector.broadcast %mul3A_91 : i32 to vector<16xi32>
      %mul3A_93 = arith.muli %scan3A_55#4, %mul3A_92 : vector<16xi32>
      %add3A_94 = arith.constant 4 : i32
      %add3A_95 = arith.addi %add3A_59, %add3A_94 : i32
      %add3A_96 = vector.broadcast %add3A_95 : i32 to vector<16xi32>
      %add3A_97 = arith.addi %mul3A_93, %add3A_96 : vector<16xi32>
      %min3A_98 = arith.minsi %min3A_90, %add3A_97 : vector<16xi32>
      %mul3A_99 = arith.constant 16384 : i32
      %mul3A_100 = vector.broadcast %mul3A_99 : i32 to vector<16xi32>
      %mul3A_101 = arith.muli %scan3A_55#5, %mul3A_100 : vector<16xi32>
      %add3A_102 = arith.constant 5 : i32
      %add3A_103 = arith.addi %add3A_59, %add3A_102 : i32
      %add3A_104 = vector.broadcast %add3A_103 : i32 to vector<16xi32>
      %add3A_105 = arith.addi %mul3A_101, %add3A_104 : vector<16xi32>
      %min3A_106 = arith.minsi %min3A_98, %add3A_105 : vector<16xi32>
      %mul3A_107 = arith.constant 16384 : i32
      %mul3A_108 = vector.broadcast %mul3A_107 : i32 to vector<16xi32>
      %mul3A_109 = arith.muli %scan3A_55#6, %mul3A_108 : vector<16xi32>
      %add3A_110 = arith.constant 6 : i32
      %add3A_111 = arith.addi %add3A_59, %add3A_110 : i32
      %add3A_112 = vector.broadcast %add3A_111 : i32 to vector<16xi32>
      %add3A_113 = arith.addi %mul3A_109, %add3A_112 : vector<16xi32>
      %min3A_114 = arith.minsi %min3A_106, %add3A_113 : vector<16xi32>
      %mul3A_115 = arith.constant 16384 : i32
      %mul3A_116 = vector.broadcast %mul3A_115 : i32 to vector<16xi32>
      %mul3A_117 = arith.muli %scan3A_55#7, %mul3A_116 : vector<16xi32>
      %add3A_118 = arith.constant 7 : i32
      %add3A_119 = arith.addi %add3A_59, %add3A_118 : i32
      %add3A_120 = vector.broadcast %add3A_119 : i32 to vector<16xi32>
      %add3A_121 = arith.addi %mul3A_117, %add3A_120 : vector<16xi32>
      %min3A_122 = arith.minsi %min3A_114, %add3A_121 : vector<16xi32>
      %mul3A_123 = arith.constant 16384 : i32
      %mul3A_124 = vector.broadcast %mul3A_123 : i32 to vector<16xi32>
      %mul3A_125 = arith.muli %scan3A_55#8, %mul3A_124 : vector<16xi32>
      %add3A_126 = arith.constant 8 : i32
      %add3A_127 = arith.addi %add3A_59, %add3A_126 : i32
      %add3A_128 = vector.broadcast %add3A_127 : i32 to vector<16xi32>
      %add3A_129 = arith.addi %mul3A_125, %add3A_128 : vector<16xi32>
      %min3A_130 = arith.minsi %min3A_122, %add3A_129 : vector<16xi32>
      %mul3A_131 = arith.constant 16384 : i32
      %mul3A_132 = vector.broadcast %mul3A_131 : i32 to vector<16xi32>
      %mul3A_133 = arith.muli %scan3A_55#9, %mul3A_132 : vector<16xi32>
      %add3A_134 = arith.constant 9 : i32
      %add3A_135 = arith.addi %add3A_59, %add3A_134 : i32
      %add3A_136 = vector.broadcast %add3A_135 : i32 to vector<16xi32>
      %add3A_137 = arith.addi %mul3A_133, %add3A_136 : vector<16xi32>
      %min3A_138 = arith.minsi %min3A_130, %add3A_137 : vector<16xi32>
      %mul3A_139 = arith.constant 16384 : i32
      %mul3A_140 = vector.broadcast %mul3A_139 : i32 to vector<16xi32>
      %mul3A_141 = arith.muli %scan3A_55#10, %mul3A_140 : vector<16xi32>
      %add3A_142 = arith.constant 10 : i32
      %add3A_143 = arith.addi %add3A_59, %add3A_142 : i32
      %add3A_144 = vector.broadcast %add3A_143 : i32 to vector<16xi32>
      %add3A_145 = arith.addi %mul3A_141, %add3A_144 : vector<16xi32>
      %min3A_146 = arith.minsi %min3A_138, %add3A_145 : vector<16xi32>
      %mul3A_147 = arith.constant 16384 : i32
      %mul3A_148 = vector.broadcast %mul3A_147 : i32 to vector<16xi32>
      %mul3A_149 = arith.muli %scan3A_55#11, %mul3A_148 : vector<16xi32>
      %add3A_150 = arith.constant 11 : i32
      %add3A_151 = arith.addi %add3A_59, %add3A_150 : i32
      %add3A_152 = vector.broadcast %add3A_151 : i32 to vector<16xi32>
      %add3A_153 = arith.addi %mul3A_149, %add3A_152 : vector<16xi32>
      %min3A_154 = arith.minsi %min3A_146, %add3A_153 : vector<16xi32>
      %mul3A_155 = arith.constant 16384 : i32
      %mul3A_156 = vector.broadcast %mul3A_155 : i32 to vector<16xi32>
      %mul3A_157 = arith.muli %scan3A_55#12, %mul3A_156 : vector<16xi32>
      %add3A_158 = arith.constant 12 : i32
      %add3A_159 = arith.addi %add3A_59, %add3A_158 : i32
      %add3A_160 = vector.broadcast %add3A_159 : i32 to vector<16xi32>
      %add3A_161 = arith.addi %mul3A_157, %add3A_160 : vector<16xi32>
      %min3A_162 = arith.minsi %min3A_154, %add3A_161 : vector<16xi32>
      %mul3A_163 = arith.constant 16384 : i32
      %mul3A_164 = vector.broadcast %mul3A_163 : i32 to vector<16xi32>
      %mul3A_165 = arith.muli %scan3A_55#13, %mul3A_164 : vector<16xi32>
      %add3A_166 = arith.constant 13 : i32
      %add3A_167 = arith.addi %add3A_59, %add3A_166 : i32
      %add3A_168 = vector.broadcast %add3A_167 : i32 to vector<16xi32>
      %add3A_169 = arith.addi %mul3A_165, %add3A_168 : vector<16xi32>
      %min3A_170 = arith.minsi %min3A_162, %add3A_169 : vector<16xi32>
      %mul3A_171 = arith.constant 16384 : i32
      %mul3A_172 = vector.broadcast %mul3A_171 : i32 to vector<16xi32>
      %mul3A_173 = arith.muli %scan3A_55#14, %mul3A_172 : vector<16xi32>
      %add3A_174 = arith.constant 14 : i32
      %add3A_175 = arith.addi %add3A_59, %add3A_174 : i32
      %add3A_176 = vector.broadcast %add3A_175 : i32 to vector<16xi32>
      %add3A_177 = arith.addi %mul3A_173, %add3A_176 : vector<16xi32>
      %min3A_178 = arith.minsi %min3A_170, %add3A_177 : vector<16xi32>
      %mul3A_179 = arith.constant 16384 : i32
      %mul3A_180 = vector.broadcast %mul3A_179 : i32 to vector<16xi32>
      %mul3A_181 = arith.muli %scan3A_55#15, %mul3A_180 : vector<16xi32>
      %add3A_182 = arith.constant 15 : i32
      %add3A_183 = arith.addi %add3A_59, %add3A_182 : i32
      %add3A_184 = vector.broadcast %add3A_183 : i32 to vector<16xi32>
      %add3A_185 = arith.addi %mul3A_181, %add3A_184 : vector<16xi32>
      %min3A_186 = arith.minsi %min3A_178, %add3A_185 : vector<16xi32>
      %mul3A_187 = arith.constant 2 : i32
      %mul3A_188 = arith.muli %scan3A_24, %mul3A_187 : i32
      %add3A_189 = arith.constant 1 : i32
      %add3A_190 = arith.addi %mul3A_188, %add3A_189 : i32
      %add3A_191 = arith.constant 1 : i32
      %add3A_192 = arith.addi %add3A_190, %add3A_191 : i32
      %lt3A_193 = arith.constant 12 : i32
      %lt3A_194 = arith.cmpi slt, %add3A_192, %lt3A_193 : i32
      %convert_element_type3A_195 = arith.extui %lt3A_194 : i1 to i32
      %cond3A_196 = arith.constant 0 : i32
      %cond3A_197 = arith.cmpi ne, %convert_element_type3A_195, %cond3A_196 : i32
      scf.if %cond3A_197 {
        %add3A_353 = arith.constant 1 : i32
        %add3A_354 = arith.addi %add3A_190, %add3A_353 : i32
        %mul3A_355 = arith.constant 16 : i32
        %mul3A_356 = arith.muli %add3A_354, %mul3A_355 : i32
        %add3A_357 = arith.addi %mul3A_2, %mul3A_356 : i32
        %dma_start3A_358 = arith.constant 0 : i32
        %dma_start3A_359 = arith.constant 0 : i32
        %dma_start3A_360 = arith.constant 0 : i32
        %dma_start3A_361 = tpu.memref_slice %arg6[%dma_start3A_358, %dma_start3A_359, %dma_start3A_360] : memref<2x16x2048xi32, #tpu.memory_space<vmem>> -> memref<1x16x2048xi32, #tpu.memory_space<vmem>>
        %dma_start3A_362 = tpu.memref_squeeze %dma_start3A_361 : memref<1x16x2048xi32, #tpu.memory_space<vmem>> -> memref<16x2048xi32, #tpu.memory_space<vmem>>
        %dma_start3A_363 = arith.constant 0 : i32
        %dma_start3A_364 = tpu.memref_slice %arg3[%add3A_357, %dma_start3A_363] : memref<16384x2048xi32, #tpu.memory_space<hbm>> -> memref<16x2048xi32, #tpu.memory_space<hbm>>
        %dma_start3A_365 = arith.constant 0 : i32
        %dma_start3A_366 = arith.constant 0 : i32
        %dma_start3A_367 = tpu.memref_slice %arg6[%dma_start3A_358, %dma_start3A_365, %dma_start3A_366] : memref<2x16x2048xi32, #tpu.memory_space<vmem>> -> memref<1x16x2048xi32, #tpu.memory_space<vmem>>
        %dma_start3A_368 = tpu.memref_squeeze %dma_start3A_367 : memref<1x16x2048xi32, #tpu.memory_space<vmem>> -> memref<16x2048xi32, #tpu.memory_space<vmem>>
        %dma_start3A_369 = arith.constant 0 : i32
        %dma_start3A_370 = tpu.memref_slice %arg3[%add3A_357, %dma_start3A_369] : memref<16384x2048xi32, #tpu.memory_space<hbm>> -> memref<16x2048xi32, #tpu.memory_space<hbm>>
        tpu.enqueue_dma source(%dma_start3A_370 : memref<16x2048xi32, #tpu.memory_space<hbm>>) target(%dma_start3A_368 : memref<16x2048xi32, #tpu.memory_space<vmem>>) target_semaphore(%arg8 : memref<!tpu.dma_semaphore, #tpu.memory_space<semaphore_mem>>)
      } else {
      }
      %mul3A_198 = arith.constant 16 : i32
      %mul3A_199 = arith.muli %add3A_190, %mul3A_198 : i32
      %add3A_200 = arith.addi %mul3A_2, %mul3A_199 : i32
      %dma_wait3A_201 = arith.constant 1 : i32
      %dma_wait3A_202 = arith.constant 0 : i32
      %dma_wait3A_203 = arith.constant 0 : i32
      %dma_wait3A_204 = tpu.memref_slice %arg6[%dma_wait3A_201, %dma_wait3A_202, %dma_wait3A_203] : memref<2x16x2048xi32, #tpu.memory_space<vmem>> -> memref<1x16x2048xi32, #tpu.memory_space<vmem>>
      %dma_wait3A_205 = tpu.memref_squeeze %dma_wait3A_204 : memref<1x16x2048xi32, #tpu.memory_space<vmem>> -> memref<16x2048xi32, #tpu.memory_space<vmem>>
      %dma_wait3A_206 = arith.constant 0 : i32
      %dma_wait3A_207 = tpu.memref_slice %arg3[%add3A_200, %dma_wait3A_206] : memref<16384x2048xi32, #tpu.memory_space<hbm>> -> memref<16x2048xi32, #tpu.memory_space<hbm>>
      %dma_wait3A_208 = arith.constant 0 : i32
      %dma_wait3A_209 = arith.constant 0 : i32
      %dma_wait3A_210 = tpu.memref_slice %arg6[%dma_wait3A_201, %dma_wait3A_208, %dma_wait3A_209] : memref<2x16x2048xi32, #tpu.memory_space<vmem>> -> memref<1x16x2048xi32, #tpu.memory_space<vmem>>
      %dma_wait3A_211 = tpu.memref_squeeze %dma_wait3A_210 : memref<1x16x2048xi32, #tpu.memory_space<vmem>> -> memref<16x2048xi32, #tpu.memory_space<vmem>>
      %dma_wait3A_212 = arith.constant 0 : i32
      %dma_wait3A_213 = tpu.memref_slice %arg3[%add3A_200, %dma_wait3A_212] : memref<16384x2048xi32, #tpu.memory_space<hbm>> -> memref<16x2048xi32, #tpu.memory_space<hbm>>
      tpu.wait_dma2 semaphore(%arg9 : memref<!tpu.dma_semaphore, #tpu.memory_space<semaphore_mem>>) src(%dma_wait3A_213 : memref<16x2048xi32, #tpu.memory_space<hbm>>) dst(%dma_wait3A_211 : memref<16x2048xi32, #tpu.memory_space<vmem>>)
      %broadcast_in_dim3A_214 = arith.constant 0 : i32
      %broadcast_in_dim3A_215 = vector.broadcast %broadcast_in_dim3A_214 : i32 to vector<16xi32>
      %scan3A_216 = arith.constant 0 : i32
      %scan3A_217 = arith.constant 64 : i32
      %scan3A_218 = arith.addi %scan3A_216, %scan3A_217 : i32
      %scan3A_219 = arith.constant 1 : i32
      %scan3A_220:16 = scf.for %scan3A_353 = %scan3A_216 to %scan3A_218 step %scan3A_219 iter_args(%scan3A_354 = %broadcast_in_dim3A_215, %scan3A_355 = %broadcast_in_dim3A_215, %scan3A_356 = %broadcast_in_dim3A_215, %scan3A_357 = %broadcast_in_dim3A_215, %scan3A_358 = %broadcast_in_dim3A_215, %scan3A_359 = %broadcast_in_dim3A_215, %scan3A_360 = %broadcast_in_dim3A_215, %scan3A_361 = %broadcast_in_dim3A_215, %scan3A_362 = %broadcast_in_dim3A_215, %scan3A_363 = %broadcast_in_dim3A_215, %scan3A_364 = %broadcast_in_dim3A_215, %scan3A_365 = %broadcast_in_dim3A_215, %scan3A_366 = %broadcast_in_dim3A_215, %scan3A_367 = %broadcast_in_dim3A_215, %scan3A_368 = %broadcast_in_dim3A_215, %scan3A_369 = %broadcast_in_dim3A_215) -> (vector<16xi32>, vector<16xi32>, vector<16xi32>, vector<16xi32>, vector<16xi32>, vector<16xi32>, vector<16xi32>, vector<16xi32>, vector<16xi32>, vector<16xi32>, vector<16xi32>, vector<16xi32>, vector<16xi32>, vector<16xi32>, vector<16xi32>, vector<16xi32>)  : i32 {
        %mul3A_370 = arith.constant 2 : i32
        %mul3A_371 = arith.muli %scan3A_353, %mul3A_370 : i32
        %add3A_372 = arith.constant 0 : i32
        %add3A_373 = arith.addi %mul3A_371, %add3A_372 : i32
        %mul3A_374 = arith.constant 16 : i32
        %mul3A_375 = arith.muli %add3A_373, %mul3A_374 : i32
        %get3A = arith.index_cast %mul3A_375 : i32 to index
        %get3A_376 = tpu.vector_load %arg5[%get3A] {strides = array<i32>} : memref<2048xi32, #tpu.memory_space<vmem>>, vector<16xi32>,
        %get3A_377 = arith.constant 1 : i32
        %get3A_378 = arith.constant 0 : i32
        %get3A_379 = arith.index_cast %get3A_377 : i32 to index
        %get3A_380 = arith.index_cast %get3A_378 : i32 to index
        %get3A_381 = arith.index_cast %mul3A_375 : i32 to index
        %get3A_382 = tpu.vector_load %arg6[%get3A_379, %get3A_380, %get3A_381] {strides = array<i32>} : memref<2x16x2048xi32, #tpu.memory_space<vmem>>, vector<16xi32>,
        %ne3A = arith.cmpi ne, %get3A_382, %get3A_376 : vector<16xi32>
        %all_reduce_population_count3A = tpu.all_reduce %ne3A {dim = 0 : i64, kind = #tpu.reduction_kind<sum>} : vector<16xi1> -> vector<16xi32>
        %add3A_383 = arith.addi %scan3A_354, %all_reduce_population_count3A : vector<16xi32>
        %get3A_384 = arith.constant 1 : i32
        %get3A_385 = arith.constant 1 : i32
        %get3A_386 = arith.index_cast %get3A_384 : i32 to index
        %get3A_387 = arith.index_cast %get3A_385 : i32 to index
        %get3A_388 = arith.index_cast %mul3A_375 : i32 to index
        %get3A_389 = tpu.vector_load %arg6[%get3A_386, %get3A_387, %get3A_388] {strides = array<i32>} : memref<2x16x2048xi32, #tpu.memory_space<vmem>>, vector<16xi32>,
        %ne3A_390 = arith.cmpi ne, %get3A_389, %get3A_376 : vector<16xi32>
        %all_reduce_population_count3A_391 = tpu.all_reduce %ne3A_390 {dim = 0 : i64, kind = #tpu.reduction_kind<sum>} : vector<16xi1> -> vector<16xi32>
        %add3A_392 = arith.addi %scan3A_355, %all_reduce_population_count3A_391 : vector<16xi32>
        %get3A_393 = arith.constant 1 : i32
        %get3A_394 = arith.constant 2 : i32
        %get3A_395 = arith.index_cast %get3A_393 : i32 to index
        %get3A_396 = arith.index_cast %get3A_394 : i32 to index
        %get3A_397 = arith.index_cast %mul3A_375 : i32 to index
        %get3A_398 = tpu.vector_load %arg6[%get3A_395, %get3A_396, %get3A_397] {strides = array<i32>} : memref<2x16x2048xi32, #tpu.memory_space<vmem>>, vector<16xi32>,
        %ne3A_399 = arith.cmpi ne, %get3A_398, %get3A_376 : vector<16xi32>
        %all_reduce_population_count3A_400 = tpu.all_reduce %ne3A_399 {dim = 0 : i64, kind = #tpu.reduction_kind<sum>} : vector<16xi1> -> vector<16xi32>
        %add3A_401 = arith.addi %scan3A_356, %all_reduce_population_count3A_400 : vector<16xi32>
        %get3A_402 = arith.constant 1 : i32
        %get3A_403 = arith.constant 3 : i32
        %get3A_404 = arith.index_cast %get3A_402 : i32 to index
        %get3A_405 = arith.index_cast %get3A_403 : i32 to index
        %get3A_406 = arith.index_cast %mul3A_375 : i32 to index
        %get3A_407 = tpu.vector_load %arg6[%get3A_404, %get3A_405, %get3A_406] {strides = array<i32>} : memref<2x16x2048xi32, #tpu.memory_space<vmem>>, vector<16xi32>,
        %ne3A_408 = arith.cmpi ne, %get3A_407, %get3A_376 : vector<16xi32>
        %all_reduce_population_count3A_409 = tpu.all_reduce %ne3A_408 {dim = 0 : i64, kind = #tpu.reduction_kind<sum>} : vector<16xi1> -> vector<16xi32>
        %add3A_410 = arith.addi %scan3A_357, %all_reduce_population_count3A_409 : vector<16xi32>
        %get3A_411 = arith.constant 1 : i32
        %get3A_412 = arith.constant 4 : i32
        %get3A_413 = arith.index_cast %get3A_411 : i32 to index
        %get3A_414 = arith.index_cast %get3A_412 : i32 to index
        %get3A_415 = arith.index_cast %mul3A_375 : i32 to index
        %get3A_416 = tpu.vector_load %arg6[%get3A_413, %get3A_414, %get3A_415] {strides = array<i32>} : memref<2x16x2048xi32, #tpu.memory_space<vmem>>, vector<16xi32>,
        %ne3A_417 = arith.cmpi ne, %get3A_416, %get3A_376 : vector<16xi32>
        %all_reduce_population_count3A_418 = tpu.all_reduce %ne3A_417 {dim = 0 : i64, kind = #tpu.reduction_kind<sum>} : vector<16xi1> -> vector<16xi32>
        %add3A_419 = arith.addi %scan3A_358, %all_reduce_population_count3A_418 : vector<16xi32>
        %get3A_420 = arith.constant 1 : i32
        %get3A_421 = arith.constant 5 : i32
        %get3A_422 = arith.index_cast %get3A_420 : i32 to index
        %get3A_423 = arith.index_cast %get3A_421 : i32 to index
        %get3A_424 = arith.index_cast %mul3A_375 : i32 to index
        %get3A_425 = tpu.vector_load %arg6[%get3A_422, %get3A_423, %get3A_424] {strides = array<i32>} : memref<2x16x2048xi32, #tpu.memory_space<vmem>>, vector<16xi32>,
        %ne3A_426 = arith.cmpi ne, %get3A_425, %get3A_376 : vector<16xi32>
        %all_reduce_population_count3A_427 = tpu.all_reduce %ne3A_426 {dim = 0 : i64, kind = #tpu.reduction_kind<sum>} : vector<16xi1> -> vector<16xi32>
        %add3A_428 = arith.addi %scan3A_359, %all_reduce_population_count3A_427 : vector<16xi32>
        %get3A_429 = arith.constant 1 : i32
        %get3A_430 = arith.constant 6 : i32
        %get3A_431 = arith.index_cast %get3A_429 : i32 to index
        %get3A_432 = arith.index_cast %get3A_430 : i32 to index
        %get3A_433 = arith.index_cast %mul3A_375 : i32 to index
        %get3A_434 = tpu.vector_load %arg6[%get3A_431, %get3A_432, %get3A_433] {strides = array<i32>} : memref<2x16x2048xi32, #tpu.memory_space<vmem>>, vector<16xi32>,
        %ne3A_435 = arith.cmpi ne, %get3A_434, %get3A_376 : vector<16xi32>
        %all_reduce_population_count3A_436 = tpu.all_reduce %ne3A_435 {dim = 0 : i64, kind = #tpu.reduction_kind<sum>} : vector<16xi1> -> vector<16xi32>
        %add3A_437 = arith.addi %scan3A_360, %all_reduce_population_count3A_436 : vector<16xi32>
        %get3A_438 = arith.constant 1 : i32
        %get3A_439 = arith.constant 7 : i32
        %get3A_440 = arith.index_cast %get3A_438 : i32 to index
        %get3A_441 = arith.index_cast %get3A_439 : i32 to index
        %get3A_442 = arith.index_cast %mul3A_375 : i32 to index
        %get3A_443 = tpu.vector_load %arg6[%get3A_440, %get3A_441, %get3A_442] {strides = array<i32>} : memref<2x16x2048xi32, #tpu.memory_space<vmem>>, vector<16xi32>,
        %ne3A_444 = arith.cmpi ne, %get3A_443, %get3A_376 : vector<16xi32>
        %all_reduce_population_count3A_445 = tpu.all_reduce %ne3A_444 {dim = 0 : i64, kind = #tpu.reduction_kind<sum>} : vector<16xi1> -> vector<16xi32>
        %add3A_446 = arith.addi %scan3A_361, %all_reduce_population_count3A_445 : vector<16xi32>
        %get3A_447 = arith.constant 1 : i32
        %get3A_448 = arith.constant 8 : i32
        %get3A_449 = arith.index_cast %get3A_447 : i32 to index
        %get3A_450 = arith.index_cast %get3A_448 : i32 to index
        %get3A_451 = arith.index_cast %mul3A_375 : i32 to index
        %get3A_452 = tpu.vector_load %arg6[%get3A_449, %get3A_450, %get3A_451] {strides = array<i32>} : memref<2x16x2048xi32, #tpu.memory_space<vmem>>, vector<16xi32>,
        %ne3A_453 = arith.cmpi ne, %get3A_452, %get3A_376 : vector<16xi32>
        %all_reduce_population_count3A_454 = tpu.all_reduce %ne3A_453 {dim = 0 : i64, kind = #tpu.reduction_kind<sum>} : vector<16xi1> -> vector<16xi32>
        %add3A_455 = arith.addi %scan3A_362, %all_reduce_population_count3A_454 : vector<16xi32>
        %get3A_456 = arith.constant 1 : i32
        %get3A_457 = arith.constant 9 : i32
        %get3A_458 = arith.index_cast %get3A_456 : i32 to index
        %get3A_459 = arith.index_cast %get3A_457 : i32 to index
        %get3A_460 = arith.index_cast %mul3A_375 : i32 to index
        %get3A_461 = tpu.vector_load %arg6[%get3A_458, %get3A_459, %get3A_460] {strides = array<i32>} : memref<2x16x2048xi32, #tpu.memory_space<vmem>>, vector<16xi32>,
        %ne3A_462 = arith.cmpi ne, %get3A_461, %get3A_376 : vector<16xi32>
        %all_reduce_population_count3A_463 = tpu.all_reduce %ne3A_462 {dim = 0 : i64, kind = #tpu.reduction_kind<sum>} : vector<16xi1> -> vector<16xi32>
        %add3A_464 = arith.addi %scan3A_363, %all_reduce_population_count3A_463 : vector<16xi32>
        %get3A_465 = arith.constant 1 : i32
        %get3A_466 = arith.constant 10 : i32
        %get3A_467 = arith.index_cast %get3A_465 : i32 to index
        %get3A_468 = arith.index_cast %get3A_466 : i32 to index
        %get3A_469 = arith.index_cast %mul3A_375 : i32 to index
        %get3A_470 = tpu.vector_load %arg6[%get3A_467, %get3A_468, %get3A_469] {strides = array<i32>} : memref<2x16x2048xi32, #tpu.memory_space<vmem>>, vector<16xi32>,
        %ne3A_471 = arith.cmpi ne, %get3A_470, %get3A_376 : vector<16xi32>
        %all_reduce_population_count3A_472 = tpu.all_reduce %ne3A_471 {dim = 0 : i64, kind = #tpu.reduction_kind<sum>} : vector<16xi1> -> vector<16xi32>
        %add3A_473 = arith.addi %scan3A_364, %all_reduce_population_count3A_472 : vector<16xi32>
        %get3A_474 = arith.constant 1 : i32
        %get3A_475 = arith.constant 11 : i32
        %get3A_476 = arith.index_cast %get3A_474 : i32 to index
        %get3A_477 = arith.index_cast %get3A_475 : i32 to index
        %get3A_478 = arith.index_cast %mul3A_375 : i32 to index
        %get3A_479 = tpu.vector_load %arg6[%get3A_476, %get3A_477, %get3A_478] {strides = array<i32>} : memref<2x16x2048xi32, #tpu.memory_space<vmem>>, vector<16xi32>,
        %ne3A_480 = arith.cmpi ne, %get3A_479, %get3A_376 : vector<16xi32>
        %all_reduce_population_count3A_481 = tpu.all_reduce %ne3A_480 {dim = 0 : i64, kind = #tpu.reduction_kind<sum>} : vector<16xi1> -> vector<16xi32>
        %add3A_482 = arith.addi %scan3A_365, %all_reduce_population_count3A_481 : vector<16xi32>
        %get3A_483 = arith.constant 1 : i32
        %get3A_484 = arith.constant 12 : i32
        %get3A_485 = arith.index_cast %get3A_483 : i32 to index
        %get3A_486 = arith.index_cast %get3A_484 : i32 to index
        %get3A_487 = arith.index_cast %mul3A_375 : i32 to index
        %get3A_488 = tpu.vector_load %arg6[%get3A_485, %get3A_486, %get3A_487] {strides = array<i32>} : memref<2x16x2048xi32, #tpu.memory_space<vmem>>, vector<16xi32>,
        %ne3A_489 = arith.cmpi ne, %get3A_488, %get3A_376 : vector<16xi32>
        %all_reduce_population_count3A_490 = tpu.all_reduce %ne3A_489 {dim = 0 : i64, kind = #tpu.reduction_kind<sum>} : vector<16xi1> -> vector<16xi32>
        %add3A_491 = arith.addi %scan3A_366, %all_reduce_population_count3A_490 : vector<16xi32>
        %get3A_492 = arith.constant 1 : i32
        %get3A_493 = arith.constant 13 : i32
        %get3A_494 = arith.index_cast %get3A_492 : i32 to index
        %get3A_495 = arith.index_cast %get3A_493 : i32 to index
        %get3A_496 = arith.index_cast %mul3A_375 : i32 to index
        %get3A_497 = tpu.vector_load %arg6[%get3A_494, %get3A_495, %get3A_496] {strides = array<i32>} : memref<2x16x2048xi32, #tpu.memory_space<vmem>>, vector<16xi32>,
        %ne3A_498 = arith.cmpi ne, %get3A_497, %get3A_376 : vector<16xi32>
        %all_reduce_population_count3A_499 = tpu.all_reduce %ne3A_498 {dim = 0 : i64, kind = #tpu.reduction_kind<sum>} : vector<16xi1> -> vector<16xi32>
        %add3A_500 = arith.addi %scan3A_367, %all_reduce_population_count3A_499 : vector<16xi32>
        %get3A_501 = arith.constant 1 : i32
        %get3A_502 = arith.constant 14 : i32
        %get3A_503 = arith.index_cast %get3A_501 : i32 to index
        %get3A_504 = arith.index_cast %get3A_502 : i32 to index
        %get3A_505 = arith.index_cast %mul3A_375 : i32 to index
        %get3A_506 = tpu.vector_load %arg6[%get3A_503, %get3A_504, %get3A_505] {strides = array<i32>} : memref<2x16x2048xi32, #tpu.memory_space<vmem>>, vector<16xi32>,
        %ne3A_507 = arith.cmpi ne, %get3A_506, %get3A_376 : vector<16xi32>
        %all_reduce_population_count3A_508 = tpu.all_reduce %ne3A_507 {dim = 0 : i64, kind = #tpu.reduction_kind<sum>} : vector<16xi1> -> vector<16xi32>
        %add3A_509 = arith.addi %scan3A_368, %all_reduce_population_count3A_508 : vector<16xi32>
        %get3A_510 = arith.constant 1 : i32
        %get3A_511 = arith.constant 15 : i32
        %get3A_512 = arith.index_cast %get3A_510 : i32 to index
        %get3A_513 = arith.index_cast %get3A_511 : i32 to index
        %get3A_514 = arith.index_cast %mul3A_375 : i32 to index
        %get3A_515 = tpu.vector_load %arg6[%get3A_512, %get3A_513, %get3A_514] {strides = array<i32>} : memref<2x16x2048xi32, #tpu.memory_space<vmem>>, vector<16xi32>,
        %ne3A_516 = arith.cmpi ne, %get3A_515, %get3A_376 : vector<16xi32>
        %all_reduce_population_count3A_517 = tpu.all_reduce %ne3A_516 {dim = 0 : i64, kind = #tpu.reduction_kind<sum>} : vector<16xi1> -> vector<16xi32>
        %add3A_518 = arith.addi %scan3A_369, %all_reduce_population_count3A_517 : vector<16xi32>
        %mul3A_519 = arith.constant 2 : i32
        %mul3A_520 = arith.muli %scan3A_353, %mul3A_519 : i32
        %add3A_521 = arith.constant 1 : i32
        %add3A_522 = arith.addi %mul3A_520, %add3A_521 : i32
        %mul3A_523 = arith.constant 16 : i32
        %mul3A_524 = arith.muli %add3A_522, %mul3A_523 : i32
        %get3A_525 = arith.index_cast %mul3A_524 : i32 to index
        %get3A_526 = tpu.vector_load %arg5[%get3A_525] {strides = array<i32>} : memref<2048xi32, #tpu.memory_space<vmem>>, vector<16xi32>,
        %get3A_527 = arith.constant 1 : i32
        %get3A_528 = arith.constant 0 : i32
        %get3A_529 = arith.index_cast %get3A_527 : i32 to index
        %get3A_530 = arith.index_cast %get3A_528 : i32 to index
        %get3A_531 = arith.index_cast %mul3A_524 : i32 to index
        %get3A_532 = tpu.vector_load %arg6[%get3A_529, %get3A_530, %get3A_531] {strides = array<i32>} : memref<2x16x2048xi32, #tpu.memory_space<vmem>>, vector<16xi32>,
        %ne3A_533 = arith.cmpi ne, %get3A_532, %get3A_526 : vector<16xi32>
        %all_reduce_population_count3A_534 = tpu.all_reduce %ne3A_533 {dim = 0 : i64, kind = #tpu.reduction_kind<sum>} : vector<16xi1> -> vector<16xi32>
        %add3A_535 = arith.addi %add3A_383, %all_reduce_population_count3A_534 : vector<16xi32>
        %get3A_536 = arith.constant 1 : i32
        %get3A_537 = arith.constant 1 : i32
        %get3A_538 = arith.index_cast %get3A_536 : i32 to index
        %get3A_539 = arith.index_cast %get3A_537 : i32 to index
        %get3A_540 = arith.index_cast %mul3A_524 : i32 to index
        %get3A_541 = tpu.vector_load %arg6[%get3A_538, %get3A_539, %get3A_540] {strides = array<i32>} : memref<2x16x2048xi32, #tpu.memory_space<vmem>>, vector<16xi32>,
        %ne3A_542 = arith.cmpi ne, %get3A_541, %get3A_526 : vector<16xi32>
        %all_reduce_population_count3A_543 = tpu.all_reduce %ne3A_542 {dim = 0 : i64, kind = #tpu.reduction_kind<sum>} : vector<16xi1> -> vector<16xi32>
        %add3A_544 = arith.addi %add3A_392, %all_reduce_population_count3A_543 : vector<16xi32>
        %get3A_545 = arith.constant 1 : i32
        %get3A_546 = arith.constant 2 : i32
        %get3A_547 = arith.index_cast %get3A_545 : i32 to index
        %get3A_548 = arith.index_cast %get3A_546 : i32 to index
        %get3A_549 = arith.index_cast %mul3A_524 : i32 to index
        %get3A_550 = tpu.vector_load %arg6[%get3A_547, %get3A_548, %get3A_549] {strides = array<i32>} : memref<2x16x2048xi32, #tpu.memory_space<vmem>>, vector<16xi32>,
        %ne3A_551 = arith.cmpi ne, %get3A_550, %get3A_526 : vector<16xi32>
        %all_reduce_population_count3A_552 = tpu.all_reduce %ne3A_551 {dim = 0 : i64, kind = #tpu.reduction_kind<sum>} : vector<16xi1> -> vector<16xi32>
        %add3A_553 = arith.addi %add3A_401, %all_reduce_population_count3A_552 : vector<16xi32>
        %get3A_554 = arith.constant 1 : i32
        %get3A_555 = arith.constant 3 : i32
        %get3A_556 = arith.index_cast %get3A_554 : i32 to index
        %get3A_557 = arith.index_cast %get3A_555 : i32 to index
        %get3A_558 = arith.index_cast %mul3A_524 : i32 to index
        %get3A_559 = tpu.vector_load %arg6[%get3A_556, %get3A_557, %get3A_558] {strides = array<i32>} : memref<2x16x2048xi32, #tpu.memory_space<vmem>>, vector<16xi32>,
        %ne3A_560 = arith.cmpi ne, %get3A_559, %get3A_526 : vector<16xi32>
        %all_reduce_population_count3A_561 = tpu.all_reduce %ne3A_560 {dim = 0 : i64, kind = #tpu.reduction_kind<sum>} : vector<16xi1> -> vector<16xi32>
        %add3A_562 = arith.addi %add3A_410, %all_reduce_population_count3A_561 : vector<16xi32>
        %get3A_563 = arith.constant 1 : i32
        %get3A_564 = arith.constant 4 : i32
        %get3A_565 = arith.index_cast %get3A_563 : i32 to index
        %get3A_566 = arith.index_cast %get3A_564 : i32 to index
        %get3A_567 = arith.index_cast %mul3A_524 : i32 to index
        %get3A_568 = tpu.vector_load %arg6[%get3A_565, %get3A_566, %get3A_567] {strides = array<i32>} : memref<2x16x2048xi32, #tpu.memory_space<vmem>>, vector<16xi32>,
        %ne3A_569 = arith.cmpi ne, %get3A_568, %get3A_526 : vector<16xi32>
        %all_reduce_population_count3A_570 = tpu.all_reduce %ne3A_569 {dim = 0 : i64, kind = #tpu.reduction_kind<sum>} : vector<16xi1> -> vector<16xi32>
        %add3A_571 = arith.addi %add3A_419, %all_reduce_population_count3A_570 : vector<16xi32>
        %get3A_572 = arith.constant 1 : i32
        %get3A_573 = arith.constant 5 : i32
        %get3A_574 = arith.index_cast %get3A_572 : i32 to index
        %get3A_575 = arith.index_cast %get3A_573 : i32 to index
        %get3A_576 = arith.index_cast %mul3A_524 : i32 to index
        %get3A_577 = tpu.vector_load %arg6[%get3A_574, %get3A_575, %get3A_576] {strides = array<i32>} : memref<2x16x2048xi32, #tpu.memory_space<vmem>>, vector<16xi32>,
        %ne3A_578 = arith.cmpi ne, %get3A_577, %get3A_526 : vector<16xi32>
        %all_reduce_population_count3A_579 = tpu.all_reduce %ne3A_578 {dim = 0 : i64, kind = #tpu.reduction_kind<sum>} : vector<16xi1> -> vector<16xi32>
        %add3A_580 = arith.addi %add3A_428, %all_reduce_population_count3A_579 : vector<16xi32>
        %get3A_581 = arith.constant 1 : i32
        %get3A_582 = arith.constant 6 : i32
        %get3A_583 = arith.index_cast %get3A_581 : i32 to index
        %get3A_584 = arith.index_cast %get3A_582 : i32 to index
        %get3A_585 = arith.index_cast %mul3A_524 : i32 to index
        %get3A_586 = tpu.vector_load %arg6[%get3A_583, %get3A_584, %get3A_585] {strides = array<i32>} : memref<2x16x2048xi32, #tpu.memory_space<vmem>>, vector<16xi32>,
        %ne3A_587 = arith.cmpi ne, %get3A_586, %get3A_526 : vector<16xi32>
        %all_reduce_population_count3A_588 = tpu.all_reduce %ne3A_587 {dim = 0 : i64, kind = #tpu.reduction_kind<sum>} : vector<16xi1> -> vector<16xi32>
        %add3A_589 = arith.addi %add3A_437, %all_reduce_population_count3A_588 : vector<16xi32>
        %get3A_590 = arith.constant 1 : i32
        %get3A_591 = arith.constant 7 : i32
        %get3A_592 = arith.index_cast %get3A_590 : i32 to index
        %get3A_593 = arith.index_cast %get3A_591 : i32 to index
        %get3A_594 = arith.index_cast %mul3A_524 : i32 to index
        %get3A_595 = tpu.vector_load %arg6[%get3A_592, %get3A_593, %get3A_594] {strides = array<i32>} : memref<2x16x2048xi32, #tpu.memory_space<vmem>>, vector<16xi32>,
        %ne3A_596 = arith.cmpi ne, %get3A_595, %get3A_526 : vector<16xi32>
        %all_reduce_population_count3A_597 = tpu.all_reduce %ne3A_596 {dim = 0 : i64, kind = #tpu.reduction_kind<sum>} : vector<16xi1> -> vector<16xi32>
        %add3A_598 = arith.addi %add3A_446, %all_reduce_population_count3A_597 : vector<16xi32>
        %get3A_599 = arith.constant 1 : i32
        %get3A_600 = arith.constant 8 : i32
        %get3A_601 = arith.index_cast %get3A_599 : i32 to index
        %get3A_602 = arith.index_cast %get3A_600 : i32 to index
        %get3A_603 = arith.index_cast %mul3A_524 : i32 to index
        %get3A_604 = tpu.vector_load %arg6[%get3A_601, %get3A_602, %get3A_603] {strides = array<i32>} : memref<2x16x2048xi32, #tpu.memory_space<vmem>>, vector<16xi32>,
        %ne3A_605 = arith.cmpi ne, %get3A_604, %get3A_526 : vector<16xi32>
        %all_reduce_population_count3A_606 = tpu.all_reduce %ne3A_605 {dim = 0 : i64, kind = #tpu.reduction_kind<sum>} : vector<16xi1> -> vector<16xi32>
        %add3A_607 = arith.addi %add3A_455, %all_reduce_population_count3A_606 : vector<16xi32>
        %get3A_608 = arith.constant 1 : i32
        %get3A_609 = arith.constant 9 : i32
        %get3A_610 = arith.index_cast %get3A_608 : i32 to index
        %get3A_611 = arith.index_cast %get3A_609 : i32 to index
        %get3A_612 = arith.index_cast %mul3A_524 : i32 to index
        %get3A_613 = tpu.vector_load %arg6[%get3A_610, %get3A_611, %get3A_612] {strides = array<i32>} : memref<2x16x2048xi32, #tpu.memory_space<vmem>>, vector<16xi32>,
        %ne3A_614 = arith.cmpi ne, %get3A_613, %get3A_526 : vector<16xi32>
        %all_reduce_population_count3A_615 = tpu.all_reduce %ne3A_614 {dim = 0 : i64, kind = #tpu.reduction_kind<sum>} : vector<16xi1> -> vector<16xi32>
        %add3A_616 = arith.addi %add3A_464, %all_reduce_population_count3A_615 : vector<16xi32>
        %get3A_617 = arith.constant 1 : i32
        %get3A_618 = arith.constant 10 : i32
        %get3A_619 = arith.index_cast %get3A_617 : i32 to index
        %get3A_620 = arith.index_cast %get3A_618 : i32 to index
        %get3A_621 = arith.index_cast %mul3A_524 : i32 to index
        %get3A_622 = tpu.vector_load %arg6[%get3A_619, %get3A_620, %get3A_621] {strides = array<i32>} : memref<2x16x2048xi32, #tpu.memory_space<vmem>>, vector<16xi32>,
        %ne3A_623 = arith.cmpi ne, %get3A_622, %get3A_526 : vector<16xi32>
        %all_reduce_population_count3A_624 = tpu.all_reduce %ne3A_623 {dim = 0 : i64, kind = #tpu.reduction_kind<sum>} : vector<16xi1> -> vector<16xi32>
        %add3A_625 = arith.addi %add3A_473, %all_reduce_population_count3A_624 : vector<16xi32>
        %get3A_626 = arith.constant 1 : i32
        %get3A_627 = arith.constant 11 : i32
        %get3A_628 = arith.index_cast %get3A_626 : i32 to index
        %get3A_629 = arith.index_cast %get3A_627 : i32 to index
        %get3A_630 = arith.index_cast %mul3A_524 : i32 to index
        %get3A_631 = tpu.vector_load %arg6[%get3A_628, %get3A_629, %get3A_630] {strides = array<i32>} : memref<2x16x2048xi32, #tpu.memory_space<vmem>>, vector<16xi32>,
        %ne3A_632 = arith.cmpi ne, %get3A_631, %get3A_526 : vector<16xi32>
        %all_reduce_population_count3A_633 = tpu.all_reduce %ne3A_632 {dim = 0 : i64, kind = #tpu.reduction_kind<sum>} : vector<16xi1> -> vector<16xi32>
        %add3A_634 = arith.addi %add3A_482, %all_reduce_population_count3A_633 : vector<16xi32>
        %get3A_635 = arith.constant 1 : i32
        %get3A_636 = arith.constant 12 : i32
        %get3A_637 = arith.index_cast %get3A_635 : i32 to index
        %get3A_638 = arith.index_cast %get3A_636 : i32 to index
        %get3A_639 = arith.index_cast %mul3A_524 : i32 to index
        %get3A_640 = tpu.vector_load %arg6[%get3A_637, %get3A_638, %get3A_639] {strides = array<i32>} : memref<2x16x2048xi32, #tpu.memory_space<vmem>>, vector<16xi32>,
        %ne3A_641 = arith.cmpi ne, %get3A_640, %get3A_526 : vector<16xi32>
        %all_reduce_population_count3A_642 = tpu.all_reduce %ne3A_641 {dim = 0 : i64, kind = #tpu.reduction_kind<sum>} : vector<16xi1> -> vector<16xi32>
        %add3A_643 = arith.addi %add3A_491, %all_reduce_population_count3A_642 : vector<16xi32>
        %get3A_644 = arith.constant 1 : i32
        %get3A_645 = arith.constant 13 : i32
        %get3A_646 = arith.index_cast %get3A_644 : i32 to index
        %get3A_647 = arith.index_cast %get3A_645 : i32 to index
        %get3A_648 = arith.index_cast %mul3A_524 : i32 to index
        %get3A_649 = tpu.vector_load %arg6[%get3A_646, %get3A_647, %get3A_648] {strides = array<i32>} : memref<2x16x2048xi32, #tpu.memory_space<vmem>>, vector<16xi32>,
        %ne3A_650 = arith.cmpi ne, %get3A_649, %get3A_526 : vector<16xi32>
        %all_reduce_population_count3A_651 = tpu.all_reduce %ne3A_650 {dim = 0 : i64, kind = #tpu.reduction_kind<sum>} : vector<16xi1> -> vector<16xi32>
        %add3A_652 = arith.addi %add3A_500, %all_reduce_population_count3A_651 : vector<16xi32>
        %get3A_653 = arith.constant 1 : i32
        %get3A_654 = arith.constant 14 : i32
        %get3A_655 = arith.index_cast %get3A_653 : i32 to index
        %get3A_656 = arith.index_cast %get3A_654 : i32 to index
        %get3A_657 = arith.index_cast %mul3A_524 : i32 to index
        %get3A_658 = tpu.vector_load %arg6[%get3A_655, %get3A_656, %get3A_657] {strides = array<i32>} : memref<2x16x2048xi32, #tpu.memory_space<vmem>>, vector<16xi32>,
        %ne3A_659 = arith.cmpi ne, %get3A_658, %get3A_526 : vector<16xi32>
        %all_reduce_population_count3A_660 = tpu.all_reduce %ne3A_659 {dim = 0 : i64, kind = #tpu.reduction_kind<sum>} : vector<16xi1> -> vector<16xi32>
        %add3A_661 = arith.addi %add3A_509, %all_reduce_population_count3A_660 : vector<16xi32>
        %get3A_662 = arith.constant 1 : i32
        %get3A_663 = arith.constant 15 : i32
        %get3A_664 = arith.index_cast %get3A_662 : i32 to index
        %get3A_665 = arith.index_cast %get3A_663 : i32 to index
        %get3A_666 = arith.index_cast %mul3A_524 : i32 to index
        %get3A_667 = tpu.vector_load %arg6[%get3A_664, %get3A_665, %get3A_666] {strides = array<i32>} : memref<2x16x2048xi32, #tpu.memory_space<vmem>>, vector<16xi32>,
        %ne3A_668 = arith.cmpi ne, %get3A_667, %get3A_526 : vector<16xi32>
        %all_reduce_population_count3A_669 = tpu.all_reduce %ne3A_668 {dim = 0 : i64, kind = #tpu.reduction_kind<sum>} : vector<16xi1> -> vector<16xi32>
        %add3A_670 = arith.addi %add3A_518, %all_reduce_population_count3A_669 : vector<16xi32>
        scf.yield %add3A_535, %add3A_544, %add3A_553, %add3A_562, %add3A_571, %add3A_580, %add3A_589, %add3A_598, %add3A_607, %add3A_616, %add3A_625, %add3A_634, %add3A_643, %add3A_652, %add3A_661, %add3A_670 : vector<16xi32>, vector<16xi32>, vector<16xi32>, vector<16xi32>, vector<16xi32>, vector<16xi32>, vector<16xi32>, vector<16xi32>, vector<16xi32>, vector<16xi32>, vector<16xi32>, vector<16xi32>, vector<16xi32>, vector<16xi32>, vector<16xi32>, vector<16xi32>
      }
      %scan3A_221 = arith.constant 64 : i32
      %mul3A_222 = arith.constant 16 : i32
      %mul3A_223 = arith.muli %add3A_190, %mul3A_222 : i32
      %add3A_224 = arith.addi %mul3A_2, %mul3A_223 : i32
      %mul3A_225 = arith.constant 16384 : i32
      %mul3A_226 = vector.broadcast %mul3A_225 : i32 to vector<16xi32>
      %mul3A_227 = arith.muli %scan3A_220#0, %mul3A_226 : vector<16xi32>
      %add3A_228 = arith.constant 0 : i32
      %add3A_229 = arith.addi %add3A_224, %add3A_228 : i32
      %add3A_230 = vector.broadcast %add3A_229 : i32 to vector<16xi32>
      %add3A_231 = arith.addi %mul3A_227, %add3A_230 : vector<16xi32>
      %min3A_232 = arith.minsi %min3A_186, %add3A_231 : vector<16xi32>
      %mul3A_233 = arith.constant 16384 : i32
      %mul3A_234 = vector.broadcast %mul3A_233 : i32 to vector<16xi32>
      %mul3A_235 = arith.muli %scan3A_220#1, %mul3A_234 : vector<16xi32>
      %add3A_236 = arith.constant 1 : i32
      %add3A_237 = arith.addi %add3A_224, %add3A_236 : i32
      %add3A_238 = vector.broadcast %add3A_237 : i32 to vector<16xi32>
      %add3A_239 = arith.addi %mul3A_235, %add3A_238 : vector<16xi32>
      %min3A_240 = arith.minsi %min3A_232, %add3A_239 : vector<16xi32>
      %mul3A_241 = arith.constant 16384 : i32
      %mul3A_242 = vector.broadcast %mul3A_241 : i32 to vector<16xi32>
      %mul3A_243 = arith.muli %scan3A_220#2, %mul3A_242 : vector<16xi32>
      %add3A_244 = arith.constant 2 : i32
      %add3A_245 = arith.addi %add3A_224, %add3A_244 : i32
      %add3A_246 = vector.broadcast %add3A_245 : i32 to vector<16xi32>
      %add3A_247 = arith.addi %mul3A_243, %add3A_246 : vector<16xi32>
      %min3A_248 = arith.minsi %min3A_240, %add3A_247 : vector<16xi32>
      %mul3A_249 = arith.constant 16384 : i32
      %mul3A_250 = vector.broadcast %mul3A_249 : i32 to vector<16xi32>
      %mul3A_251 = arith.muli %scan3A_220#3, %mul3A_250 : vector<16xi32>
      %add3A_252 = arith.constant 3 : i32
      %add3A_253 = arith.addi %add3A_224, %add3A_252 : i32
      %add3A_254 = vector.broadcast %add3A_253 : i32 to vector<16xi32>
      %add3A_255 = arith.addi %mul3A_251, %add3A_254 : vector<16xi32>
      %min3A_256 = arith.minsi %min3A_248, %add3A_255 : vector<16xi32>
      %mul3A_257 = arith.constant 16384 : i32
      %mul3A_258 = vector.broadcast %mul3A_257 : i32 to vector<16xi32>
      %mul3A_259 = arith.muli %scan3A_220#4, %mul3A_258 : vector<16xi32>
      %add3A_260 = arith.constant 4 : i32
      %add3A_261 = arith.addi %add3A_224, %add3A_260 : i32
      %add3A_262 = vector.broadcast %add3A_261 : i32 to vector<16xi32>
      %add3A_263 = arith.addi %mul3A_259, %add3A_262 : vector<16xi32>
      %min3A_264 = arith.minsi %min3A_256, %add3A_263 : vector<16xi32>
      %mul3A_265 = arith.constant 16384 : i32
      %mul3A_266 = vector.broadcast %mul3A_265 : i32 to vector<16xi32>
      %mul3A_267 = arith.muli %scan3A_220#5, %mul3A_266 : vector<16xi32>
      %add3A_268 = arith.constant 5 : i32
      %add3A_269 = arith.addi %add3A_224, %add3A_268 : i32
      %add3A_270 = vector.broadcast %add3A_269 : i32 to vector<16xi32>
      %add3A_271 = arith.addi %mul3A_267, %add3A_270 : vector<16xi32>
      %min3A_272 = arith.minsi %min3A_264, %add3A_271 : vector<16xi32>
      %mul3A_273 = arith.constant 16384 : i32
      %mul3A_274 = vector.broadcast %mul3A_273 : i32 to vector<16xi32>
      %mul3A_275 = arith.muli %scan3A_220#6, %mul3A_274 : vector<16xi32>
      %add3A_276 = arith.constant 6 : i32
      %add3A_277 = arith.addi %add3A_224, %add3A_276 : i32
      %add3A_278 = vector.broadcast %add3A_277 : i32 to vector<16xi32>
      %add3A_279 = arith.addi %mul3A_275, %add3A_278 : vector<16xi32>
      %min3A_280 = arith.minsi %min3A_272, %add3A_279 : vector<16xi32>
      %mul3A_281 = arith.constant 16384 : i32
      %mul3A_282 = vector.broadcast %mul3A_281 : i32 to vector<16xi32>
      %mul3A_283 = arith.muli %scan3A_220#7, %mul3A_282 : vector<16xi32>
      %add3A_284 = arith.constant 7 : i32
      %add3A_285 = arith.addi %add3A_224, %add3A_284 : i32
      %add3A_286 = vector.broadcast %add3A_285 : i32 to vector<16xi32>
      %add3A_287 = arith.addi %mul3A_283, %add3A_286 : vector<16xi32>
      %min3A_288 = arith.minsi %min3A_280, %add3A_287 : vector<16xi32>
      %mul3A_289 = arith.constant 16384 : i32
      %mul3A_290 = vector.broadcast %mul3A_289 : i32 to vector<16xi32>
      %mul3A_291 = arith.muli %scan3A_220#8, %mul3A_290 : vector<16xi32>
      %add3A_292 = arith.constant 8 : i32
      %add3A_293 = arith.addi %add3A_224, %add3A_292 : i32
      %add3A_294 = vector.broadcast %add3A_293 : i32 to vector<16xi32>
      %add3A_295 = arith.addi %mul3A_291, %add3A_294 : vector<16xi32>
      %min3A_296 = arith.minsi %min3A_288, %add3A_295 : vector<16xi32>
      %mul3A_297 = arith.constant 16384 : i32
      %mul3A_298 = vector.broadcast %mul3A_297 : i32 to vector<16xi32>
      %mul3A_299 = arith.muli %scan3A_220#9, %mul3A_298 : vector<16xi32>
      %add3A_300 = arith.constant 9 : i32
      %add3A_301 = arith.addi %add3A_224, %add3A_300 : i32
      %add3A_302 = vector.broadcast %add3A_301 : i32 to vector<16xi32>
      %add3A_303 = arith.addi %mul3A_299, %add3A_302 : vector<16xi32>
      %min3A_304 = arith.minsi %min3A_296, %add3A_303 : vector<16xi32>
      %mul3A_305 = arith.constant 16384 : i32
      %mul3A_306 = vector.broadcast %mul3A_305 : i32 to vector<16xi32>
      %mul3A_307 = arith.muli %scan3A_220#10, %mul3A_306 : vector<16xi32>
      %add3A_308 = arith.constant 10 : i32
      %add3A_309 = arith.addi %add3A_224, %add3A_308 : i32
      %add3A_310 = vector.broadcast %add3A_309 : i32 to vector<16xi32>
      %add3A_311 = arith.addi %mul3A_307, %add3A_310 : vector<16xi32>
      %min3A_312 = arith.minsi %min3A_304, %add3A_311 : vector<16xi32>
      %mul3A_313 = arith.constant 16384 : i32
      %mul3A_314 = vector.broadcast %mul3A_313 : i32 to vector<16xi32>
      %mul3A_315 = arith.muli %scan3A_220#11, %mul3A_314 : vector<16xi32>
      %add3A_316 = arith.constant 11 : i32
      %add3A_317 = arith.addi %add3A_224, %add3A_316 : i32
      %add3A_318 = vector.broadcast %add3A_317 : i32 to vector<16xi32>
      %add3A_319 = arith.addi %mul3A_315, %add3A_318 : vector<16xi32>
      %min3A_320 = arith.minsi %min3A_312, %add3A_319 : vector<16xi32>
      %mul3A_321 = arith.constant 16384 : i32
      %mul3A_322 = vector.broadcast %mul3A_321 : i32 to vector<16xi32>
      %mul3A_323 = arith.muli %scan3A_220#12, %mul3A_322 : vector<16xi32>
      %add3A_324 = arith.constant 12 : i32
      %add3A_325 = arith.addi %add3A_224, %add3A_324 : i32
      %add3A_326 = vector.broadcast %add3A_325 : i32 to vector<16xi32>
      %add3A_327 = arith.addi %mul3A_323, %add3A_326 : vector<16xi32>
      %min3A_328 = arith.minsi %min3A_320, %add3A_327 : vector<16xi32>
      %mul3A_329 = arith.constant 16384 : i32
      %mul3A_330 = vector.broadcast %mul3A_329 : i32 to vector<16xi32>
      %mul3A_331 = arith.muli %scan3A_220#13, %mul3A_330 : vector<16xi32>
      %add3A_332 = arith.constant 13 : i32
      %add3A_333 = arith.addi %add3A_224, %add3A_332 : i32
      %add3A_334 = vector.broadcast %add3A_333 : i32 to vector<16xi32>
      %add3A_335 = arith.addi %mul3A_331, %add3A_334 : vector<16xi32>
      %min3A_336 = arith.minsi %min3A_328, %add3A_335 : vector<16xi32>
      %mul3A_337 = arith.constant 16384 : i32
      %mul3A_338 = vector.broadcast %mul3A_337 : i32 to vector<16xi32>
      %mul3A_339 = arith.muli %scan3A_220#14, %mul3A_338 : vector<16xi32>
      %add3A_340 = arith.constant 14 : i32
      %add3A_341 = arith.addi %add3A_224, %add3A_340 : i32
      %add3A_342 = vector.broadcast %add3A_341 : i32 to vector<16xi32>
      %add3A_343 = arith.addi %mul3A_339, %add3A_342 : vector<16xi32>
      %min3A_344 = arith.minsi %min3A_336, %add3A_343 : vector<16xi32>
      %mul3A_345 = arith.constant 16384 : i32
      %mul3A_346 = vector.broadcast %mul3A_345 : i32 to vector<16xi32>
      %mul3A_347 = arith.muli %scan3A_220#15, %mul3A_346 : vector<16xi32>
      %add3A_348 = arith.constant 15 : i32
      %add3A_349 = arith.addi %add3A_224, %add3A_348 : i32
      %add3A_350 = vector.broadcast %add3A_349 : i32 to vector<16xi32>
      %add3A_351 = arith.addi %mul3A_347, %add3A_350 : vector<16xi32>
      %min3A_352 = arith.minsi %min3A_344, %add3A_351 : vector<16xi32>
      scf.yield %min3A_352 : vector<16xi32>
    }
    %scan3A_22 = arith.constant 6 : i32
    %swap3A = arith.constant 0 : index
    %swap3A_23 = tpu.vector_load %arg7[%swap3A] {strides = array<i32>} : memref<16xi32, #tpu.memory_space<vmem>>, vector<16xi32>,
    tpu.vector_store %arg7[%swap3A], %scan3A_21 {strides = array<i32>} : memref<16xi32, #tpu.memory_space<vmem>>, vector<16xi32>,
    "tpu.region"() ({
      %run_scoped3A = tpu.sem_alloc : memref<!tpu.dma_semaphore, #tpu.memory_space<semaphore_mem>>
      %dma_start3A_24 = arith.constant 0 : i32
      %dma_start3A_25 = tpu.memref_slice %arg4[%add3A, %dma_start3A_24] : memref<32x16xi32, #tpu.memory_space<hbm>> -> memref<1x16xi32, #tpu.memory_space<hbm>>
      %dma_start3A_26 = tpu.memref_squeeze %dma_start3A_25 : memref<1x16xi32, #tpu.memory_space<hbm>> -> memref<16xi32, #tpu.memory_space<hbm>>
      %dma_start3A_27 = arith.constant 0 : i32
      %dma_start3A_28 = tpu.memref_slice %arg4[%add3A, %dma_start3A_27] : memref<32x16xi32, #tpu.memory_space<hbm>> -> memref<1x16xi32, #tpu.memory_space<hbm>>
      %dma_start3A_29 = tpu.memref_squeeze %dma_start3A_28 : memref<1x16xi32, #tpu.memory_space<hbm>> -> memref<16xi32, #tpu.memory_space<hbm>>
      tpu.enqueue_dma source(%arg7 : memref<16xi32, #tpu.memory_space<vmem>>) target(%dma_start3A_29 : memref<16xi32, #tpu.memory_space<hbm>>) target_semaphore(%run_scoped3A : memref<!tpu.dma_semaphore, #tpu.memory_space<semaphore_mem>>)
      %dma_wait3A = arith.constant 0 : i32
      %dma_wait3A_30 = tpu.memref_slice %arg4[%add3A, %dma_wait3A] : memref<32x16xi32, #tpu.memory_space<hbm>> -> memref<1x16xi32, #tpu.memory_space<hbm>>
      %dma_wait3A_31 = tpu.memref_squeeze %dma_wait3A_30 : memref<1x16xi32, #tpu.memory_space<hbm>> -> memref<16xi32, #tpu.memory_space<hbm>>
      %dma_wait3A_32 = arith.constant 0 : i32
      %dma_wait3A_33 = tpu.memref_slice %arg4[%add3A, %dma_wait3A_32] : memref<32x16xi32, #tpu.memory_space<hbm>> -> memref<1x16xi32, #tpu.memory_space<hbm>>
      %dma_wait3A_34 = tpu.memref_squeeze %dma_wait3A_33 : memref<1x16xi32, #tpu.memory_space<hbm>> -> memref<16xi32, #tpu.memory_space<hbm>>
      tpu.wait_dma2 semaphore(%run_scoped3A : memref<!tpu.dma_semaphore, #tpu.memory_space<semaphore_mem>>) src(%arg7 : memref<16xi32, #tpu.memory_space<vmem>>) dst(%dma_wait3A_34 : memref<16xi32, #tpu.memory_space<hbm>>)
      tpu.yield
    }) : () -> ()
    return
  }
}

module attributes {stable_mosaic.version = 14 : i64} {
  func.func @_merge_body(%arg0: memref<32x16xi32, #tpu.memory_space<vmem>>, %arg1: memref<1xi32, #tpu.memory_space<smem>>, %arg2: memref<16384x2048xf32, #tpu.memory_space<hbm>>, %arg3: memref<2048xf32, #tpu.memory_space<vmem>>, %arg4: memref<!tpu.dma_semaphore, #tpu.memory_space<semaphore_mem>>) attributes {dimension_semantics = [], scalar_prefetch = 0 : i64, scratch_operands = 1 : i64, tpu.core_type = #tpu.core_type<tc>} {
    %get3A = arith.constant 0 : index
    %get3A_0 = arith.constant 0 : index
    %get3A_1 = vector.load %arg0[%get3A, %get3A_0] : memref<32x16xi32, #tpu.memory_space<vmem>>, vector<32x16xi32>
    %reduce_min3A = vector.shape_cast %get3A_1 : vector<32x16xi32> to vector<1x32x16xi32>
    %reduce_min3A_2 = arith.constant dense<2147483647> : vector<1xi32>
    %reduce_min3A_3 = vector.multi_reduction <minsi>, %reduce_min3A, %reduce_min3A_2 [1, 2] : vector<1x32x16xi32> to vector<1xi32>
    %reduce_min3A_4 = vector.shape_cast %reduce_min3A_3 : vector<1xi32> to vector<1x1x1xi32>
    %reduce_min3A_5 = vector.extract %reduce_min3A_4[0, 0, 0] : i32 from vector<1x1x1xi32>
    %get3A_6 = arith.constant 0 : index
    %get3A_7 = memref.load %arg1[%get3A_6] : memref<1xi32, #tpu.memory_space<smem>>
    %min3A = arith.minsi %reduce_min3A_5, %get3A_7 : i32
    %and3A = arith.constant 16383 : i32
    %and3A_8 = arith.andi %min3A, %and3A : i32
    %dma_start3A = arith.constant 0 : i32
    %dma_start3A_9 = tpu.memref_slice %arg2[%and3A_8, %dma_start3A] : memref<16384x2048xf32, #tpu.memory_space<hbm>> -> memref<1x2048xf32, #tpu.memory_space<hbm>>
    %dma_start3A_10 = tpu.memref_squeeze %dma_start3A_9 : memref<1x2048xf32, #tpu.memory_space<hbm>> -> memref<2048xf32, #tpu.memory_space<hbm>>
    tpu.enqueue_dma source(%dma_start3A_10 : memref<2048xf32, #tpu.memory_space<hbm>>) target(%arg3 : memref<2048xf32, #tpu.memory_space<vmem>>) target_semaphore(%arg4 : memref<!tpu.dma_semaphore, #tpu.memory_space<semaphore_mem>>)
    %dma_wait3A = arith.constant 0 : i32
    %dma_wait3A_11 = tpu.memref_slice %arg2[%and3A_8, %dma_wait3A] : memref<16384x2048xf32, #tpu.memory_space<hbm>> -> memref<1x2048xf32, #tpu.memory_space<hbm>>
    %dma_wait3A_12 = tpu.memref_squeeze %dma_wait3A_11 : memref<1x2048xf32, #tpu.memory_space<hbm>> -> memref<2048xf32, #tpu.memory_space<hbm>>
    tpu.wait_dma2 semaphore(%arg4 : memref<!tpu.dma_semaphore, #tpu.memory_space<semaphore_mem>>) src(%dma_wait3A_12 : memref<2048xf32, #tpu.memory_space<hbm>>) dst(%arg3 : memref<2048xf32, #tpu.memory_space<vmem>>)
    return
  }
}

module attributes {stable_mosaic.version = 14 : i64} {
  func.func @_tc_scan_body(%arg0: i32, %arg1: memref<1x2048xi32, #tpu.memory_space<vmem>>, %arg2: memref<1024x2048xi32, #tpu.memory_space<vmem>>, %arg3: memref<1xi32, #tpu.memory_space<smem>>, %arg4: memref<1xi32, #tpu.memory_space<smem>>) attributes {dimension_semantics = [#tpu.dimension_semantics<arbitrary>], iteration_bounds = array<i64: 10>, scalar_prefetch = 0 : i64, scratch_operands = 1 : i64, tpu.core_type = #tpu.core_type<tc>, window_params = [{pipeline_mode = #tpu.pipeline_mode<synchronous>, transform_indices = @transform_0, window_bounds = array<i64: 1, 2048>}, {transform_indices = @transform_1, window_bounds = array<i64: 1024, 2048>}, {transform_indices = @transform_2, window_bounds = array<i64: 1>}]} {
    %eq3A = arith.constant 0 : i32
    %eq3A_0 = arith.cmpi eq, %arg0, %eq3A : i32
    %convert_element_type3A = arith.extui %eq3A_0 : i1 to i32
    %cond3A = arith.constant 0 : i32
    %cond3A_1 = arith.cmpi ne, %convert_element_type3A, %cond3A : i32
    scf.if %cond3A_1 {
      %swap3A_29 = arith.constant 1073741824 : i32
      %swap3A_30 = arith.constant 0 : index
      %swap3A_31 = memref.load %arg4[%swap3A_30] : memref<1xi32, #tpu.memory_space<smem>>
      memref.store %swap3A_29, %arg4[%swap3A_30] : memref<1xi32, #tpu.memory_space<smem>>
    } else {
    }
    %get3A = arith.constant 0 : index
    %get3A_2 = arith.constant 0 : index
    %get3A_3 = vector.load %arg2[%get3A, %get3A_2] : memref<1024x2048xi32, #tpu.memory_space<vmem>>, vector<1024x2048xi32>
    %get3A_4 = arith.constant 0 : index
    %get3A_5 = arith.constant 0 : index
    %get3A_6 = vector.load %arg1[%get3A_4, %get3A_5] : memref<1x2048xi32, #tpu.memory_space<vmem>>, vector<1x2048xi32>
    %xor3A = vector.broadcast %get3A_6 : vector<1x2048xi32> to vector<1024x2048xi32>
    %xor3A_7 = arith.xori %get3A_3, %xor3A : vector<1024x2048xi32>
    %reduce_sum3A = arith.constant dense<0> : vector<1024xi32>
    %reduce_sum3A_8 = vector.multi_reduction <add>, %xor3A_7, %reduce_sum3A [1] : vector<1024x2048xi32> to vector<1024xi32>
    %broadcast_in_dim3A = vector.shape_cast %reduce_sum3A_8 : vector<1024xi32> to vector<1024x1xi32>
    %iota3A = tpu.iota {dimensions = array<i32: 0>} : vector<1024x1xi32>
    %mul3A = arith.constant 16384 : i32
    %mul3A_9 = vector.broadcast %mul3A : i32 to vector<1024x1xi32>
    %mul3A_10 = arith.muli %broadcast_in_dim3A, %mul3A_9 : vector<1024x1xi32>
    %mul3A_11 = arith.constant 1024 : i32
    %mul3A_12 = arith.muli %arg0, %mul3A_11 : i32
    %add3A = arith.constant 6144 : i32
    %add3A_13 = arith.addi %add3A, %mul3A_12 : i32
    %add3A_14 = vector.broadcast %add3A_13 : i32 to vector<1024x1xi32>
    %add3A_15 = arith.addi %add3A_14, %iota3A : vector<1024x1xi32>
    %add3A_16 = arith.addi %mul3A_10, %add3A_15 : vector<1024x1xi32>
    %reduce_min3A = vector.shape_cast %add3A_16 : vector<1024x1xi32> to vector<1x1024x1xi32>
    %reduce_min3A_17 = arith.constant dense<2147483647> : vector<1xi32>
    %reduce_min3A_18 = vector.multi_reduction <minsi>, %reduce_min3A, %reduce_min3A_17 [1, 2] : vector<1x1024x1xi32> to vector<1xi32>
    %reduce_min3A_19 = vector.shape_cast %reduce_min3A_18 : vector<1xi32> to vector<1x1x1xi32>
    %reduce_min3A_20 = vector.extract %reduce_min3A_19[0, 0, 0] : i32 from vector<1x1x1xi32>
    %get3A_21 = arith.constant 0 : index
    %get3A_22 = memref.load %arg4[%get3A_21] : memref<1xi32, #tpu.memory_space<smem>>
    %min3A = arith.minsi %get3A_22, %reduce_min3A_20 : i32
    %swap3A = arith.constant 0 : index
    %swap3A_23 = memref.load %arg4[%swap3A] : memref<1xi32, #tpu.memory_space<smem>>
    memref.store %min3A, %arg4[%swap3A] : memref<1xi32, #tpu.memory_space<smem>>
    %eq3A_24 = arith.constant 9 : i32
    %eq3A_25 = arith.cmpi eq, %arg0, %eq3A_24 : i32
    %convert_element_type3A_26 = arith.extui %eq3A_25 : i1 to i32
    %cond3A_27 = arith.constant 0 : i32
    %cond3A_28 = arith.cmpi ne, %convert_element_type3A_26, %cond3A_27 : i32
    scf.if %cond3A_28 {
      %get3A_29 = arith.constant 0 : index
      %get3A_30 = memref.load %arg4[%get3A_29] : memref<1xi32, #tpu.memory_space<smem>>
      %swap3A_31 = arith.constant 0 : index
      %swap3A_32 = memref.load %arg3[%swap3A_31] : memref<1xi32, #tpu.memory_space<smem>>
      memref.store %get3A_30, %arg3[%swap3A_31] : memref<1xi32, #tpu.memory_space<smem>>
    } else {
    }
    return
  }
  func.func @transform_0(%arg0: i32) -> (i32, i32) {
    %c0_i32 = arith.constant 0 : i32
    %c0_i32_0 = arith.constant 0 : i32
    %c0_i32_1 = arith.constant 0 : i32
    return %c0_i32, %c0_i32_0 : i32, i32
  }
  func.func @transform_1(%arg0: i32) -> (i32, i32) {
    %add3A = arith.constant 6 : i32
    %add3A_0 = arith.addi %arg0, %add3A : i32
    %c0_i32 = arith.constant 0 : i32
    %c0_i32_1 = arith.constant 0 : i32
    return %add3A_0, %c0_i32 : i32, i32
  }
  func.func @transform_2(%arg0: i32) -> i32 {
    %c0_i32 = arith.constant 0 : i32
    %c0_i32_0 = arith.constant 0 : i32
    return %c0_i32 : i32
  }
}

</mosaic_0001>

<sc_bundles>
// kernel: kernel.5.cloned.1.call-start
scs
__scs_entry_jumppad:
0x0: {  	(pc) =	sbr.rel $0x88, $3  }
0x1: {  	(tag) =	ssettag $0x0;
	lr =	simm.s32 $0x1  }
0x2: {  	[smem:$0x3F9E] =	sst lr;
	_ =	strace $0xD0000000  }
0x3: {  	_ = 	snop  }
0x4: {  	_ = 	snop  }
0x5: {  	_ = 	snop  }
0x6: {  	_ = 	snop  }
0x7: {  	_ = 	snop  }
__scs_overlays_trampoline_lowered:
0x8: {  	[smem:$0x3FAD] =	sst s0  }
0x9: {  	[smem:$0x3FAE] =	sst s1  }
0xa: {  	[smem:$0x3FAF] =	sst s2  }
0xb: {  	[smem:$0x3FB0] =	sst s3  }
0xc: {  	[smem:$0x3FB1] =	sst s4  }
0xd: {  	[smem:$0x3FB2] =	sst s5  }
0xe: {  	[smem:$0x3FB3] =	sst s6  }
0xf: {  	[smem:$0x3FB4] =	sst s7  }
0x10: {  	[smem:$0x3FB5] =	sst s8  }
0x11: {  	[smem:$0x3FB6] =	sst s9;
	s0 =	simm.s32 @!p0 $0x0  }
0x12: {  	s1 =	sld [smem:$0x3F9C];
	s0 =	simm.s32 @p0 $0x1  }
0x13: {  	[smem:$0x3FB7] =	sst s0;
	s0 =	simm.s32 @!p1 $0x0  }
0x14: {  	s2 =	sld [smem:$0x3F9B];
	s0 =	simm.s32 @p1 $0x1  }
0x15: {  	[smem:$0x3FB8] =	sst s0;
	s0 =	simm.s32 @!p2 $0x0  }
0x16: {  	s3 =	sld [smem:$0x3FDB];
	s0 =	simm.s32 @p2 $0x1  }
0x17: {  	s4 =	simm.s32 $0x1BF5;
	[smem:$0x3FBA] =	sst s0  }
0x18: {  	s0 =	sld [smem:$0x3F9D];
	_ =	swait.ge [sflag:s4], $0x0  }
0x19: {  	s7 =	sld [smem:$0x3F9E]  }
0x1a: {  	s8 =	sadd.s32 $0xFFFFE003, lr  }
0x1b: {  	s9 =	sadd.s32 $0xFFFFFEF7, lr;
	s5 =	simm.s32 $0xFFFFFFFF;
	p2 =	slt.u32 s8, $0xFFFFF086  }
0x1c: {  	p1 =	slt.u32 s9, $0xF7A;
	s5 =	simm.s32 @!p2 $0x0  }
0x1d: {  	s5 =	simm.s32 @p1 $0x1;
	p0 =	seq.s32 s7, s2  }
0x1e: {  	s7 =	smul.u32 @!p0 $0xF7A, s2;
	p2 =	seq.s32 @!p0 s5, $0x0  }
0x1f: {  	s9 =	smul.u32 $0xF7A, s1;
	s8 =	simm.s32 @!p0 $0x1BF5;
	p2 =	por !p2, p0  }
0x20: {  	[sflag:s8] =	ssyncset.s32 @!p0 $0xFFFFF086;
	s6 =	sadd.s32 @!p0 s3, s7;
	s7 =	simm.s32 @!p0 $0x108  }
0x21: {  	s3 =	sadd.s32 s3, s9;
	s6 =	sadd.s32 @!p0 $0x88, s6;
	s7 =	simm.s32 @p2 $0x1082  }
0x22: {  	[simem:s7], [sflag:s8] =	dma.local @!p0 [hbm:s6], $0xF7A  }
0x23: {  	s9 =	sor.u32 $0xD0000000, s2;
	s6 =	simm.s32 $0x108;
	_ =	swait.ge @!p0 [sflag:s8], $0x0  }
0x24: {  	s3 =	sadd.s32 $0x88, s3;
	s6 =	simm.s32 @!p1 $0x1082;
	[sflag:s4] =	ssyncset.s32 $0xFFFFF086  }
0x25: {  	[simem:s6], [sflag:s4] =	dma.local [hbm:s3], $0xF7A  }
0x26: {  	[smem:$0x3F9E] =	sst s1;
	(tag) =	ssettag s2;
	_ =	strace s9  }
0x27: {  	s1 =	sld [smem:$0x3FAE]  }
0x28: {  	s2 =	sld [smem:$0x3FAF]  }
0x29: {  	s4 =	sld [smem:$0x3FB1]  }
0x2a: {  	p0 =	seq.s32 s5, $0x0;
	s5 =	sld [smem:$0x3FB2]  }
0x2b: {  	s6 =	sld [smem:$0x3FB3]  }
0x2c: {  	s7 =	sld [smem:$0x3FB4]  }
0x2d: {  	s3 =	simm.s32 $0x108;
	s8 =	sld [smem:$0x3FB5]  }
0x2e: {  	s3 =	simm.s32 @!p0 $0x1082;
	s9 =	sld [smem:$0x3FB6]  }
0x2f: {  	lr =	sadd.s32 s0, s3;
	s0 =	sld [smem:$0x3FAD]  }
0x30: {  	s3 =	sld [smem:$0x3FB0]  }
0x31: {  	[smem:$0x3FB9] =	sst s10  }
0x32: {  	s10 =	sld [smem:$0x3FB7];
	_ =	sdelay $0x3  }
0x33: {  	p0 =	seq.s32 s10, $0x1;
	s10 =	sld [smem:$0x3FB9];
	_ =	sdelay $0x3  }
0x34: {  	[smem:$0x3FB9] =	sst s10  }
0x35: {  	s10 =	sld [smem:$0x3FB8];
	_ =	sdelay $0x3  }
0x36: {  	p1 =	seq.s32 s10, $0x1;
	s10 =	sld [smem:$0x3FB9];
	_ =	sdelay $0x3  }
0x37: {  	[smem:$0x3FB9] =	sst s10  }
0x38: {  	s10 =	sld [smem:$0x3FBA]  }
0x39: {  	_ = 	snop;
	(pc) =	sbr.ind lr, $3  }
0x3a: {  	_ = 	snop  }
0x3b: {  	_ = 	snop  }
0x3c: {  	p2 =	seq.s32 s10, $0x1;
	s10 =	sld [smem:$0x3FB9]  }
0x3d: {  	_ =	shalt  }
0x3e: {  	_ =	shalt  }
0x3f: {  	_ =	shalt  }
0x40: {  	_ =	shalt  }
0x41: {  	_ =	shalt  }
0x42: {  	_ =	shalt  }
0x43: {  	_ =	shalt  }
0x44: {  	_ =	shalt  }
0x45: {  	_ =	shalt  }
0x46: {  	_ =	shalt  }
0x47: {  	_ =	shalt  }
0x48: {  	_ =	shalt  }
0x49: {  	_ =	shalt  }
0x4a: {  	_ =	shalt  }
0x4b: {  	_ =	shalt  }
0x4c: {  	_ =	shalt  }
0x4d: {  	_ =	shalt  }
0x4e: {  	_ =	shalt  }
0x4f: {  	_ =	shalt  }
0x50: {  	_ =	shalt  }
0x51: {  	_ =	shalt  }
0x52: {  	_ =	shalt  }
0x53: {  	_ =	shalt  }
0x54: {  	_ =	shalt  }
0x55: {  	_ =	shalt  }
0x56: {  	_ =	shalt  }
0x57: {  	_ =	shalt  }
0x58: {  	_ =	shalt  }
0x59: {  	_ =	shalt  }
0x5a: {  	_ =	shalt  }
0x5b: {  	_ =	shalt  }
0x5c: {  	_ =	shalt  }
0x5d: {  	_ =	shalt  }
0x5e: {  	_ =	shalt  }
0x5f: {  	_ =	shalt  }
0x60: {  	_ =	shalt  }
0x61: {  	_ =	shalt  }
0x62: {  	_ =	shalt  }
0x63: {  	_ =	shalt  }
0x64: {  	_ =	shalt  }
0x65: {  	_ =	shalt  }
0x66: {  	_ =	shalt  }
0x67: {  	_ =	shalt  }
0x68: {  	_ =	shalt  }
0x69: {  	_ =	shalt  }
0x6a: {  	_ =	shalt  }
0x6b: {  	_ =	shalt  }
0x6c: {  	_ =	shalt  }
0x6d: {  	_ =	shalt  }
0x6e: {  	_ =	shalt  }
0x6f: {  	_ =	shalt  }
0x70: {  	_ =	shalt  }
0x71: {  	_ =	shalt  }
0x72: {  	_ =	shalt  }
0x73: {  	_ =	shalt  }
0x74: {  	_ =	shalt  }
0x75: {  	_ =	shalt  }
0x76: {  	_ =	shalt  }
0x77: {  	_ =	shalt  }
0x78: {  	_ =	shalt  }
0x79: {  	_ =	shalt  }
0x7a: {  	_ =	shalt  }
0x7b: {  	_ =	shalt  }
0x7c: {  	_ =	shalt  }
0x7d: {  	_ =	shalt  }
0x7e: {  	_ =	shalt  }
0x7f: {  	_ =	shalt  }
0x80: {  	_ =	shalt  }
0x81: {  	_ =	shalt  }
0x82: {  	_ =	shalt  }
0x83: {  	_ =	shalt  }
0x84: {  	_ =	shalt  }
0x85: {  	_ =	shalt  }
0x86: {  	_ =	shalt  }
0x87: {  	_ =	shalt  }
.Lfunc_end0:
.L_simem_size_0:
called_computation_lowered:
.L_overlay_start_0:
0x88: {  	s2 =	sld [smem:$0x3FD9]  }
0x89: {  	s3 =	sld [smem:$0x3FFE];
	_ =	sdelay $0x1  }
0x8a: {  	s1 =	srdreg.scid  }
0x8b: {  	s0 =	sand.u32 $0x1, s1  }
0x8c: {  	s17 =	sshll.u32 s0, $0xA;
	s2 =	sadd.s32 s3, s2  }
0x8d: {  	s2 =	sadd.s32 s2, s17  }
0x8e: {  	[smem:$0x3FC5] =	sst s2  }
0x8f: {  	_ = 	snop  }
0x90: {  	s2 =	sld [smem:$0x3FC9]  }
0x91: {  	s18 =	sld [smem:$0x3FC8];
	(tm) =	ssettm $0x1  }
0x92: {  	s4 =	sld [smem:$0x3FFB];
	_ =	sdelay $0x3  }
0x93: {  	_ =	strace s4  }
0x94: {  	s4 =	sld [smem:$0x3FFC];
	_ =	sdelay $0x3  }
0x95: {  	_ =	strace s4  }
0x96: {  	s4 =	sld [smem:$0x3FFD];
	_ =	sdelay $0x3  }
0x97: {  	_ =	strace s4  }
0x98: {  	_ =	strace $0x8FFFFFFF  }
0x99: {  	s19 =	sld [smem:$0x3FDB];
	_ =	sdelay $0x1  }
0x9a: {  	s5 =	simm.s32 $_scs_section_size  }
0x9b: {  	s6 =	simm.s32 $_size__tile_overlayer_lowered;
	s7 =	simm.s32 $_tile_overlayer_lowered  }
0x9c: {  	s22 =	simm.s32 $0x1BFF;
	s21 =	sshll.u32 s7, $0x1;
	s4 =	sadd.s32 s5, s19  }
0x9d: {  	s8 =	simm.s32 $0x0;
	s20 =	sshll.u32 s6, $0x1;
	s6 =	sadd.s32 s21, s4  }
0x9e: {  	[timem:s8], [sflag:s22] =	dma.local [hbm:s6], s20  }
0x9f: {  	_ =	swait.ge [sflag:s22], s20  }
0xa0: {  	s5 =	ssub.s32 $0x0, s20;
	[sflag:s22] =	ssyncset.done $0x0  }
0xa1: {  	[sflag:s22] =	ssyncadd.s32 s5;
	_ =	sdelay $0x1  }
0xa2: {  	s23 =	simm.s32 $0x1B8B  }
0xa3: {  	_ =	swait.ge [sflag:s23], $0x1  }
0xa4: {  	[sflag:s23] =	ssyncset.done $0x0  }
0xa5: {  	s25 =	simm.s32 $0x1B8E;
	s24 =	sld [smem:$0x3FFE];
	[sflag:s23] =	ssyncadd.s32 $0xFFFFFFFF  }
0xa6: {  	s26 =	simm.s32 $execute0_lowered;
	[smem:$0x3FD2] =	sst s25  }
0xa7: {  	s6 =	sshll.u32 s26, $0x1;
	_ =	strace $0x80000046;
	[dreg:$0x1] =	wrdreg $0xFFFFFFFF  }
0xa8: {  	s28 =	simm.s32 $_size_execute0_lowered;
	s4 =	sadd.s32 s4, s6;
	[dreg:$0x0] =	wrdreg $0x0  }
0xa9: {  	s6 =	sshll.u32 s28, $0x1;
	[dreg:$0x2] =	wrdreg s4  }
0xaa: {  	[dreg:$0x3] =	wrdreg s6  }
0xab: {  	[dreg:$0x4] =	wrdreg $0xC0  }
0xac: {  	_ =	task [dreg:s8], $0x5FFFF  }
0xad: {  	[dreg:$0x1] =	wrdreg $0xFFFFFFFF  }
0xae: {  	[dreg:$0x0] =	wrdreg $0x60  }
0xaf: {  	[dreg:$0x2] =	wrdreg s2  }
0xb0: {  	[dreg:$0x3] =	wrdreg s18  }
0xb1: {  	[dreg:$0x4] =	wrdreg s24  }
0xb2: {  	[dreg:$0x5] =	wrdreg $0x9  }
0xb3: {  	_ =	task.clear_ibuf [dreg:s8], $0x6FFFF;
	_ =	strace $0x90000046  }
0xb4: {  	s29 =	simm.s32 $0x9;
	_ =	strace $0x80000048  }
0xb5: {  	_ =	swait.ge [sflag:s29], $0x1  }
0xb6: {  	[sflag:s29] =	ssyncadd.s32 $0xFFFFFFFF  }
0xb7: {  	_ =	strace $0x90000048  }
0xb8: {  	_ =	sfence  }
0xb9: {  	s30 =	sld [smem:$0x0];
	_ =	sdelay $0x2  }
0xba: {  	s31 =	sshll.u32 s1, $0xD;
	s1 =	sshrl.u32 s1, $0x2  }
0xbb: {  	s3 =	sand.u32 $0x4000, s31;
	s1 =	sadd.s32 s1, s30  }
0xbc: {  	s0 =	sor.u32 s3, s0;
	s1 =	sshll.u32 s1, $0x11  }
0xbd: {  	s0 =	sor.u32 s1, s0  }
0xbe: {  	s0 =	sadd.s32 $0x8F2B, s0  }
0xbf: {  	[sflag:s0] =	ssyncadd.remote.s32 $0x1  }
0xc0: {  	_ =	sfence.sel $0xFFFF  }
0xc1: {  	[dreg:$0x0] =	wrdreg $0xFFFFFFFF;
	(pc) =	sbr.abs _section_cstart, $3  }
0xc2: {  	[dreg:$0x1] =	wrdreg $0xFFFFFFFF  }
0xc3: {  	_ =	task.clear_ibuf [dreg:s8], $0x2FFFF;
	_ =	strace $0x9FFFFFFF  }
0xc4: {  	(tm) =	ssettm $0x7FFFFFFF  }
0xc5: {  	_ =	shalt  }
tec
execute0_lowered:
.L_overlay_start_1:
0x0: {  	(tag) =	ssettag $0x1  }
0x1: {  	s0 =	srdreg.scid;
	s2 =	stileid.u32  }
0x2: {  	s0 =	sand.u32 $0x1, s0;
	s2 =	sshll.u32 s2, $0x1  }
0x3: {  	s3 =	rddreg [dreg:$0x1];
	s2 =	sor.u32 s0, s2  }
0x4: {  	s1 =	rddreg [dreg:$0x2];
	s5 =	simm.s32 $0x0;
	s4 =	smul.u32 $0xC000, s2  }
0x5: {  	[smem:$0x7FF] =	sst s5;
	s8 =	smul.u32 $0x60000, s2  }
0x6: {  	s0 =	ssub.s32 $0x2, s0;
	_ =	strace $0x80000047;
	s6 =	sshll.u32 s2, $0x4  }
0x7: {  	s7 =	sshrl.u32 s0, $0x1;
	s30 =	sadd.s32 s3, s4;
	[dreg:$0x4] =	wrdreg s8  }
0x8: {  	s1 =	sadd.s32 s6, s1;
	s31 =	sor.u32 $0x10000, s8;
	[dreg:$0x5] =	wrdreg s30  }
0x9: {  	s0 =	ssub.s32 s0, s7;
	s1 =	sadd.s32 $0x800, s1;
	[dreg:$0x6] =	wrdreg s31  }
0xa: {  	s13 =	smul.u32 $0xC0, s2;
	s0 =	smax.u32 s0, $0x1;
	[dreg:$0x7] =	wrdreg s1  }
0xb: {  	s2 =	simm.s32 $0x0;
	[dreg:$0x8] =	wrdreg s0;
	s1 =	simm.s32 $0x3  }
.LBB2_1:
0xc: {  	[dreg:$0x9] =	wrdreg s2  }
0xd: {  	s0 =	rddreg [dreg:$0x0]  }
0xe: {  	[tilespmem:s5], [sflag:$0x3] =	stream.linear.gather [hbm4b:s0+s5], $0x800, $0x38;
	[tilespmem:$0x10880] =	vst v63  }
0xf: {  	_ =	swait.ge [sflag:s1], $0x800  }
0x10: {  	s31 =	simm.s32 $0x800;
	[sflag:s1] =	ssyncset.done $0x0  }
0x11: {  	s18 =	simm.s32 $0x0;
	s30 =	rddreg [dreg:$0x5];
	[sflag:s1] =	ssyncadd.s32 $0xFFFFF800  }
0x12: {  	v2 =	vimm.s32 $0x40000000;
	[tilespmem:s31], [sflag:$0x1] =	stream.linear.gather [hbm4b:s30+s5], $0x8000, $0x38;
	[tilespmem:$0x10880] =	vst v63  }
.LBB2_2:
0x13: {  	s0 =	sshllo.u32 s18, $0x1;
	s1 =	rddreg [dreg:$0x4]  }
0x14: {  	[dreg:$0xa] =	wrdreg s0;
	s0 =	sshll.u32 s0, $0xF  }
0x15: {  	s0 =	sadd.s32 s1, s0  }
0x16: {  	s22 =	simm.s32 $0x0;
	s0 =	sshrl.u32 s0, $0x3  }
0x17: {  	s2 =	simm.s32 $0x8800;
	s23 =	simm.s32 $0x1;
	s0 =	sadd.s32 s3, s0  }
0x18: {  	[tilespmem:s2], [sflag:$0x2] =	stream.linear.gather [hbm4b:s0+s22], $0x8000, $0x38;
	[tilespmem:$0x10880] =	vst v63  }
0x19: {  	s24 =	sand.u32 $0x3, s22;
	_ =	swait.ge [sflag:s23], $0x8000  }
0x1a: {  	s21 =	sand.u32 $0x60, s22;
	s25 =	sand.u32 $0x780, s22;
	[sflag:s23] =	ssyncset.done $0x0  }
0x1b: {  	s20 =	sor.u32 $0x10, s21;
	s0 =	sshll.u32 s24, $0x5;
	[sflag:s23] =	ssyncadd.s32 $0xFFFF8000  }
0x1c: {  	s2 =	sor.u32 s20, s25;
	s0 =	sadd.s32 $0x0, s0;
	v1 =	vld [tilespmem:s22+$0x0]  }
0x1d: {  	s4 =	sor.u32 $0x300, s0;
	v0 =	vld [tilespmem:s2+$0x0]  }
0x1e: {  	s26 =	sadd.s32 $0x10, s0;
	s28 =	sor.u32 $0x380, s0;
	v3 =	vld [tilespmem:s4+$0x800]  }
0x1f: {  	s29 =	sand.u32 $0x3C00, s22;
	s30 =	sor.u32 $0x300, s26;
	v4 =	vld [tilespmem:s28+$0x800]  }
0x20: {  	s31 =	sadd.s32 $0x800, s29;
	s5 =	sor.u32 $0x380, s26;
	v5 =	vld [tilespmem:s30+$0x800]  }
0x21: {  	s9 =	sadd.s32 $0x4900, s29;
	s7 =	sor.u32 s21, s31;
	v6 =	vld [tilespmem:s5+$0x800]  }
0x22: {  	s6 =	sadd.s32 $0x4980, s29;
	s12 =	sor.u32 s20, s9;
	v7 =	vld [tilespmem:s7+$0x100]  }
0x23: {  	s8 =	sor.u32 s20, s6;
	v15 =	vld [tilespmem:s12+$0x0]  }
0x24: {  	v9 =	vld [tilespmem:s8+$0x0]  }
0x25: {  	v12 =	vld [tilespmem:s7+$0x0]  }
0x26: {  	s10 =	sor.u32 s21, s9;
	v10 =	vld [tilespmem:s7+$0x80]  }
0x27: {  	v8 =	vimm.s32 $0x0;
	v11 =	vld [tilespmem:s10+$0x0]  }
0x28: {  	s11 =	sor.u32 s20, s31;
	v13 =	vld [tilespmem:s7+$0x280];
	vm0 =	vne.s32 v3, v1;
	vm1 =	vne.s32 v5, v0;
	vm3 =	vne.s32 v15, v0  }
0x29: {  	v22 =	vld [tilespmem:s11+$0x180];
	v3 =	vmpcnt.ones.xlane vm0;
	vm0 =	vne.s32 v4, v1;
	v14 =	vmpcnt.ones.xlane vm1  }
0x2a: {  	v4 =	vld [tilespmem:s11+$0x200];
	vm1 =	vne.s32 v12, v1;
	v5 =	vmpcnt.ones.xlane vm0;
	vm0 =	vne.s32 v6, v0  }
0x2b: {  	v17 =	vld [tilespmem:s7+$0x200];
	v29 =	vmpcnt.ones.xlane vm3;
	v3 =	vadd.s32 v8, v3;
	v16 =	vmpcnt.ones.xlane vm0  }
0x2c: {  	vm0 =	vne.s32 v11, v1;
	v5 =	vadd.s32 v8, v5;
	v6 =	vadd.s32 v14, v3;
	v14 =	vld [tilespmem:s11+$0x100]  }
0x2d: {  	s2 =	sor.u32 s21, s6;
	v3 =	vadd.s32 v16, v5;
	v5 =	vmpcnt.ones.xlane vm0;
	vm0 =	vne.s32 v13, v1;
	v13 =	vld [tilespmem:s11+$0x80]  }
0x2e: {  	s14 =	sadd.s32 $0x4800, s29;
	vm3 =	vne.s32 v22, v0;
	v22 =	vimm.s32 $0x0;
	v16 =	vld [tilespmem:s2+$0x0];
	v11 =	vmpcnt.ones.xlane vm0  }
0x2f: {  	s15 =	sor.u32 s20, s14;
	v15 =	vld [tilespmem:s7+$0x180];
	vm2 =	vne.s32 v4, v0;
	v4 =	vmpcnt.ones.xlane vm1;
	vm0 =	vne.s32 v10, v1  }
0x30: {  	v10 =	vld [tilespmem:s15+$0x0];
	vm1 =	vne.s32 v17, v1;
	v12 =	vmpcnt.ones.xlane vm0;
	vm0 =	vne.s32 v7, v1  }
0x31: {  	v7 =	vld [tilespmem:s11+$0x0];
	v18 =	vmpcnt.ones.xlane vm1;
	vm1 =	vne.s32 v9, v0;
	v17 =	vmpcnt.ones.xlane vm0  }
0x32: {  	s17 =	sadd.s32 $0x4880, s29;
	s16 =	sor.u32 s21, s14;
	v24 =	vadd.s32 v8, v4;
	v9 =	vadd.s32 v8, v12;
	vm4 =	vne.s32 v14, v0  }
0x33: {  	s19 =	sor.u32 s21, s17;
	v12 =	vld [tilespmem:s16+$0x0];
	v14 =	vmpcnt.ones.xlane vm2;
	vm0 =	vne.s32 v13, v0;
	vm5 =	vne.s32 v16, v1  }
0x34: {  	s22 =	sadd.s32 $0x4A00, s29;
	v20 =	vadd.s32 v8, v17;
	v13 =	vld [tilespmem:s19+$0x0];
	v21 =	vmpcnt.ones.xlane vm4;
	v17 =	vmpcnt.ones.xlane vm5  }
0x35: {  	s24 =	sadd.s32 $0x4A80, s29;
	s23 =	sor.u32 s21, s22;
	v16 =	vld [tilespmem:s11+$0x280];
	v19 =	vmpcnt.ones.xlane vm0;
	vm4 =	vne.s32 v10, v0;
	vm5 =	vne.s32 v15, v1  }
0x36: {  	s25 =	sor.u32 s21, s24;
	v10 =	vld [tilespmem:s23+$0x0];
	v15 =	vimm.s32 $0x0;
	vm0 =	vne.s32 v7, v0;
	v7 =	vmpcnt.ones.xlane vm1  }
0x37: {  	s26 =	sadd.s32 $0x4B00, s29;
	s4 =	sor.u32 s20, s17;
	v26 =	vld [tilespmem:s25+$0x0];
	v30 =	vmpcnt.ones.xlane vm4;
	v31 =	vmpcnt.ones.xlane vm5;
	v4 =	vadd.s32 v8, v17  }
0x38: {  	s28 =	sadd.s32 $0x4B80, s29;
	s29 =	sor.u32 s21, s26;
	v27 =	vld [tilespmem:s4+$0x0];
	v9 =	vadd.s32 v19, v9;
	v17 =	vadd.s32 v8, v18;
	v18 =	vadd.s32 v8, v5  }
0x39: {  	v25 =	vld [tilespmem:s29+$0x0];
	s2 =	sor.u32 s20, s22;
	v5 =	vimm.s32 $0x0;
	vm1 =	vne.s32 v12, v1;
	v4 =	vadd.s32 v7, v4  }
0x3a: {  	s0 =	simm.s32 $0x20;
	s30 =	sor.u32 s21, s28;
	v28 =	vld [tilespmem:s2+$0x0];
	vm2 =	vne.s32 v13, v1;
	v7 =	vmpcnt.ones.xlane vm1;
	vm4 =	vne.s32 v16, v0  }
0x3b: {  	s25 =	sor.u32 s20, s24;
	s31 =	sor.u32 s20, s26;
	s24 =	sor.u32 s20, s28;
	v19 =	vld [tilespmem:s30+$0x0];
	v13 =	vimm.s32 $0x0;
	vm1 =	vne.s32 v10, v1;
	v23 =	vmpcnt.ones.xlane vm4  }
0x3c: {  	s21 =	simm.s32 $0x1;
	s20 =	simm.s32 $0x100;
	s22 =	simm.s32 $0x20;
	v16 =	vld [tilespmem:s31+$0x0];
	v10 =	vimm.s32 $0x0;
	v12 =	vadd.s32 v8, v7;
	v7 =	vimm.s32 $0x0  }
.LBB2_3:
0x3d: {  	s1 =	sand.u32 $0x3, s21  }
0x3e: {  	s28 =	sand.u32 $0x60, s0;
	v32 =	vmpcnt.ones.xlane vm2;
	v33 =	vmpcnt.ones.xlane vm3;
	v12 =	vadd.s32 v30, v12;
	v30 =	vld [tilespmem:s25+$0x0];
	s2 =	smov.u32 s0;
	s23 =	sadd.s32 $0x20, s0  }
0x3f: {  	vm3 =	vne.s32 v26, v1;
	vm2 =	vne.s32 v27, v0;
	s1 =	sshll.u32 s1, $0x5;
	s29 =	sor.u32 $0x10, s28;
	s2 =	sand.u32 $0x780, s2;
	v8 =	vadd.s32 v8, v31;
	v26 =	vld [tilespmem:s24+$0x0]  }
0x40: {  	p0 =	sne.s32 s0, $0x7E0;
	v18 =	vadd.s32 v29, v18;
	s1 =	sadd.s32 s1, s20;
	v27 =	vld [tilespmem:s22+$0x0];
	s2 =	sor.u32 s29, s2;
	v22 =	vadd.s32 v22, v32;
	v8 =	vadd.s32 v33, v8  }
0x41: {  	v20 =	vadd.s32 v21, v20;
	v31 =	vmpcnt.ones.xlane vm3;
	s0 =	sor.u32 $0x300, s1;
	v29 =	vld [tilespmem:s2+$0x0];
	s2 =	sadd.s32 $0x10, s1;
	vm3 =	vne.s32 v28, v0  }
0x42: {  	v28 =	vmpcnt.ones.xlane vm1;
	vm1 =	vne.s32 v25, v1;
	v25 =	vmpcnt.ones.xlane vm0;
	v21 =	vld [tilespmem:s0+$0x800];
	s0 =	sor.u32 $0x380, s1  }
0x43: {  	v10 =	vadd.s32 v10, v11;
	v11 =	vadd.s32 v15, v31;
	s1 =	sand.u32 $0x3C00, s20;
	v32 =	vld [tilespmem:s0+$0x800];
	s0 =	sor.u32 $0x300, s2;
	vm0 =	vne.s32 v30, v0  }
0x44: {  	s4 =	sadd.s32 $0x800, s1;
	s7 =	sadd.s32 $0x4980, s1;
	v13 =	vadd.s32 v13, v28;
	v24 =	vadd.s32 v25, v24;
	v15 =	vld [tilespmem:s0+$0x800];
	s0 =	sor.u32 $0x380, s2;
	vm4 =	vne.s32 v26, v0  }
0x45: {  	v10 =	vadd.s32 v23, v10;
	vm5 =	vne.s32 v19, v1;
	s2 =	sor.u32 s28, s4;
	s9 =	sor.u32 s28, s7;
	s26 =	sor.u32 s29, s4;
	v25 =	vld [tilespmem:s0+$0x800];
	v19 =	vmpcnt.ones.xlane vm4;
	v1 =	vmovc v27  }
0x46: {  	v17 =	vadd.s32 v14, v17;
	s4 =	sadd.s32 $0x4900, s1;
	s7 =	sor.u32 s29, s7;
	v26 =	vmpcnt.ones.xlane vm1;
	vm1 =	vne.s32 v16, v0;
	s0 =	sadd.s32 $0x4800, s1;
	v23 =	vld [tilespmem:s9+$0x0];
	v0 =	vmovc v29  }
0x47: {  	s10 =	sadd.s32 $0x4B00, s1;
	s24 =	sadd.s32 $0x4B80, s1;
	v16 =	vmpcnt.ones.xlane vm5;
	s11 =	sor.u32 s29, s4;
	v14 =	vld [tilespmem:s2+$0x100];
	vm4 =	vne.s32 v21, v1;
	v21 =	vmpcnt.ones.xlane vm1  }
0x48: {  	s31 =	sor.u32 s28, s0;
	s9 =	sor.u32 s28, s4;
	s4 =	sor.u32 s29, s0;
	v29 =	vmpcnt.ones.xlane vm0;
	v27 =	vmpcnt.ones.xlane vm4;
	vm1 =	vne.s32 v32, v1;
	v28 =	vld [tilespmem:s7+$0x0]  }
0x49: {  	s25 =	sadd.s32 $0x4A00, s1;
	s0 =	sadd.s32 $0x4880, s1;
	s1 =	sadd.s32 $0x4A80, s1;
	v30 =	vld [tilespmem:s2+$0x80];
	v31 =	vmpcnt.ones.xlane vm1;
	vm0 =	vne.s32 v15, v0;
	v15 =	vmpcnt.ones.xlane vm3  }
0x4a: {  	s16 =	sor.u32 s28, s25;
	s12 =	sor.u32 s29, s0;
	s7 =	sor.u32 s28, s0;
	v32 =	vld [tilespmem:s9+$0x0];
	v33 =	vmpcnt.ones.xlane vm0;
	vm0 =	vne.s32 v25, v0;
	v25 =	vmpcnt.ones.xlane vm2  }
0x4b: {  	s30 =	sor.u32 s28, s10;
	v7 =	vadd.s32 v7, v26;
	s0 =	sor.u32 s29, s25;
	v6 =	vadd.s32 v6, v27;
	s9 =	sor.u32 s28, s1;
	v34 =	vld [tilespmem:s2+$0x0];
	v27 =	vmpcnt.ones.xlane vm0  }
0x4c: {  	s25 =	sor.u32 s29, s1;
	s28 =	sor.u32 s28, s24;
	s1 =	sor.u32 s29, s10;
	v3 =	vadd.s32 v3, v31;
	v26 =	vld [tilespmem:s2+$0x280];
	v6 =	vadd.s32 v33, v6;
	v22 =	vadd.s32 v25, v22  }
0x4d: {  	v5 =	vadd.s32 v5, v16;
	v7 =	vadd.s32 v21, v7;
	s24 =	sor.u32 s29, s24;
	v25 =	vld [tilespmem:s26+$0x200];
	v3 =	vadd.s32 v27, v3  }
0x4e: {  	v5 =	vadd.s32 v19, v5;
	v13 =	vadd.s32 v15, v13;
	v15 =	vadd.s32 v29, v11;
	v16 =	vld [tilespmem:s11+$0x0]  }
0x4f: {  	v19 =	vld [tilespmem:s2+$0x200];
	vm0 =	vne.s32 v32, v1  }
0x50: {  	v29 =	vmpcnt.ones.xlane vm0;
	v21 =	vld [tilespmem:s26+$0x100]  }
0x51: {  	vm0 =	vne.s32 v26, v1;
	v26 =	vld [tilespmem:s26+$0x80]  }
0x52: {  	vm2 =	vne.s32 v34, v1;
	v31 =	vld [tilespmem:s2+$0x180];
	v11 =	vmpcnt.ones.xlane vm0;
	vm1 =	vne.s32 v25, v0  }
0x53: {  	v25 =	vmpcnt.ones.xlane vm2;
	vm0 =	vne.s32 v30, v1;
	v27 =	vld [tilespmem:s4+$0x0];
	vm3 =	vne.s32 v16, v0  }
0x54: {  	v16 =	vmpcnt.ones.xlane vm0;
	vm0 =	vne.s32 v14, v1;
	vm2 =	vne.s32 v19, v1;
	v14 =	vld [tilespmem:s26+$0x0]  }
0x55: {  	v19 =	vmpcnt.ones.xlane vm0;
	v30 =	vmpcnt.ones.xlane vm2;
	v32 =	vld [tilespmem:s26+$0x280];
	vm2 =	vne.s32 v28, v0  }
0x56: {  	v9 =	vadd.s32 v9, v16;
	vm4 =	vne.s32 v21, v0;
	v16 =	vld [tilespmem:s31+$0x0];
	vm0 =	vne.s32 v26, v0  }
0x57: {  	vm5 =	vne.s32 v23, v1;
	v20 =	vadd.s32 v20, v19;
	v21 =	vmpcnt.ones.xlane vm4;
	v19 =	vld [tilespmem:s7+$0x0]  }
0x58: {  	v23 =	vmpcnt.ones.xlane vm5;
	v33 =	vmpcnt.ones.xlane vm0;
	v28 =	vld [tilespmem:s16+$0x0];
	vm4 =	vne.s32 v27, v0  }
0x59: {  	v34 =	vmpcnt.ones.xlane vm2;
	v26 =	vld [tilespmem:s9+$0x0];
	vm0 =	vne.s32 v14, v0;
	v14 =	vmpcnt.ones.xlane vm1  }
0x5a: {  	v4 =	vadd.s32 v4, v23;
	v24 =	vadd.s32 v24, v25;
	v9 =	vadd.s32 v33, v9;
	v33 =	vld [tilespmem:s26+$0x180]  }
.Ltmp0:
0x5b: {  	v17 =	vadd.s32 v17, v30;
	v4 =	vadd.s32 v34, v4;
	vm1 =	vne.s32 v16, v1;
	v27 =	vld [tilespmem:s12+$0x0];
	(pc) =	sbr.rel @p0 .LBB2_3-.Ltmp0, $4  }
0x5c: {  	vm5 =	vne.s32 v31, v1;
	v30 =	vmpcnt.ones.xlane vm4;
	vm2 =	vne.s32 v19, v1;
	v25 =	vld [tilespmem:s30+$0x0]  }
0x5d: {  	v18 =	vadd.s32 v18, v29;
	vm4 =	vne.s32 v32, v0;
	v16 =	vmpcnt.ones.xlane vm1;
	v19 =	vld [tilespmem:s28+$0x0]  }
0x5e: {  	s21 =	sadd.s32 $0x1, s21;
	v29 =	vmpcnt.ones.xlane vm3;
	v23 =	vmpcnt.ones.xlane vm4;
	vm1 =	vne.s32 v28, v1;
	v28 =	vld [tilespmem:s0+$0x0]  }
0x5f: {  	s22 =	sadd.s32 $0x20, s22;
	s20 =	sadd.s32 $0x100, s20;
	v31 =	vmpcnt.ones.xlane vm5;
	v12 =	vadd.s32 v12, v16;
	s0 =	smov.u32 s23;
	vm3 =	vne.s32 v33, v0;
	v16 =	vld [tilespmem:s1+$0x0]  }
0x60: {  	v32 =	vmpcnt.ones.xlane vm0;
	v33 =	vmpcnt.ones.xlane vm2;
	v12 =	vadd.s32 v30, v12  }
0x61: {  	v30 =	vmpcnt.ones.xlane vm3;
	vm0 =	vne.s32 v26, v1;
	vm2 =	vne.s32 v27, v0  }
0x62: {  	s0 =	sshll.u32 s18, $0x5;
	v18 =	vadd.s32 v29, v18;
	v9 =	vshll.u32 v9, $0xE;
	v24 =	vadd.s32 v32, v24  }
0x63: {  	v20 =	vadd.s32 v21, v20;
	v21 =	vmpcnt.ones.xlane vm1;
	s23 =	sadd.s32 s13, s0;
	v24 =	vshll.u32 v24, $0xE  }
0x64: {  	v14 =	vadd.s32 v14, v17;
	v10 =	vadd.s32 v10, v11;
	v24 =	vadd.s32 s23, v24  }
0x65: {  	v6 =	vshll.u32 v6, $0xE;
	v26 =	vmpcnt.ones.xlane vm0;
	s0 =	sor.u32 $0x1, s23;
	vm0 =	vlt.s32 v2, v24  }
0x66: {  	v8 =	vadd.s32 v8, v31;
	v9 =	vadd.s32 s0, v9;
	v2 =	vsel vm0, v2, v24  }
0x67: {  	v20 =	vshll.u32 v20, $0xE;
	v11 =	vshll.u32 v14, $0xE;
	s15 =	sor.u32 $0x2, s23;
	vm3 =	vlt.s32 v2, v9  }
0x68: {  	p0 =	seq.s32 s18, $0x5;
	v8 =	vadd.s32 v30, v8;
	v2 =	vsel vm3, v2, v9;
	v9 =	vadd.s32 s15, v20  }
0x69: {  	s2 =	rddreg [dreg:$0x6];
	v10 =	vadd.s32 v23, v10;
	s16 =	sor.u32 $0x3, s23;
	v8 =	vshll.u32 v8, $0xE;
	s0 =	sshll.u32 @!p0 s18, $0x10;
	v20 =	vld [tilespmem:s25+$0x0];
	vm1 =	vlt.s32 v2, v9  }
0x6a: {  	s22 =	simm.s32 $0x2;
	v22 =	vadd.s32 v22, v33;
	s20 =	sor.u32 $0x6, s23;
	v8 =	vadd.s32 s16, v8;
	s0 =	sadd.s32 @!p0 s0, s2;
	v2 =	vsel vm1, v2, v9  }
0x6b: {  	s4 =	simm.s32 @!p0 $0x800;
	s17 =	sor.u32 $0x4, s23;
	v10 =	vshll.u32 v10, $0xE;
	v6 =	vadd.s32 s20, v6;
	s0 =	sshrl.u32 @!p0 s0, $0x3;
	v9 =	vld [tilespmem:s24+$0x0];
	vm1 =	vlt.s32 v2, v8  }
0x6c: {  	s1 =	sor.u32 $0x5, s23;
	s2 =	simm.s32 @!p0 $0x0;
	vm0 =	vne.s32 v28, v0;
	s0 =	sadd.s32 @!p0 s3, s0;
	v2 =	vsel vm1, v2, v8;
	v8 =	vadd.s32 s17, v11  }
0x6d: {  	v14 =	vmpcnt.ones.xlane vm0;
	vm3 =	vne.s32 v25, v1;
	[tilespmem:s4], [sflag:$0x1] =	stream.linear.gather @!p0 [hbm4b:s0+s2], $0x8000, $0x38;
	vm4 =	vlt.s32 v2, v8;
	[tilespmem:$0x10880] =	vst v63  }
0x6e: {  	_ =	swait.ge [sflag:s22], $0x8000;
	vm1 =	vne.s32 v20, v0;
	v2 =	vsel vm4, v2, v8;
	v8 =	vadd.s32 s1, v10  }
0x6f: {  	s24 =	simm.s32 $0x0;
	v11 =	vadd.s32 v15, v26;
	[sflag:s22] =	ssyncset.done $0x0;
	v15 =	vmpcnt.ones.xlane vm1;
	vm4 =	vlt.s32 v2, v8  }
0x70: {  	s6 =	smov.u32 s3;
	[sflag:s22] =	ssyncadd.s32 $0xFFFF8000;
	s22 =	sand.u32 $0x3C00, s24;
	vm5 =	vne.s32 v9, v0;
	v9 =	vmpcnt.ones.xlane vm3;
	vm3 =	vne.s32 v16, v0  }
0x71: {  	s21 =	sor.u32 $0x7, s23;
	s20 =	sand.u32 $0x60, s24;
	s3 =	sadd.s32 $0x8A00, s22;
	v2 =	vsel vm4, v2, v8;
	vm4 =	vne.s32 v19, v1;
	v1 =	vshll.u32 v3, $0xE  }
0x72: {  	s25 =	sor.u32 $0x8, s23;
	s29 =	sadd.s32 $0xCB80, s22;
	s5 =	sor.u32 s20, s3;
	v3 =	vmpcnt.ones.xlane vm2;
	v8 =	vshll.u32 v12, $0xE;
	vm6 =	vlt.s32 v2, v6  }
0x73: {  	s26 =	sand.u32 $0x780, s24;
	s4 =	sor.u32 s20, s29;
	v16 =	vld [tilespmem:s5+$0x0];
	v11 =	vadd.s32 v15, v11;
	v1 =	vadd.s32 s21, v1;
	s21 =	sor.u32 $0x10, s20;
	v2 =	vsel vm6, v2, v6  }
0x74: {  	v17 =	vld [tilespmem:s4+$0x0];
	v8 =	vadd.s32 s25, v8;
	v12 =	vmpcnt.ones.xlane vm4;
	s7 =	sor.u32 s21, s26;
	vm2 =	vlt.s32 v2, v1  }
0x75: {  	s19 =	smov.u32 s13;
	s15 =	sadd.s32 $0xCB00, s22;
	v7 =	vadd.s32 v7, v9;
	v3 =	vadd.s32 v3, v22;
	s13 =	sor.u32 s21, s3;
	v0 =	vld [tilespmem:s7+$0x0];
	v2 =	vsel vm2, v2, v1  }
0x76: {  	s28 =	sor.u32 $0x9, s23;
	s2 =	sadd.s32 $0x8B80, s22;
	v9 =	vshll.u32 v11, $0xE;
	s25 =	sor.u32 s20, s15;
	v3 =	vshll.u32 v3, $0xE;
	v11 =	vld [tilespmem:s13+$0x0];
	vm2 =	vlt.s32 v2, v8  }
0x77: {  	s10 =	sor.u32 s20, s2;
	s2 =	sor.u32 s21, s2;
	v5 =	vadd.s32 v5, v12;
	v12 =	vld [tilespmem:s25+$0x0];
	v3 =	vadd.s32 s28, v3;
	v2 =	vsel vm2, v2, v8  }
0x78: {  	s31 =	sor.u32 $0xA, s23;
	v10 =	vadd.s32 v13, v21;
	v13 =	vshll.u32 v18, $0xE;
	s30 =	sor.u32 s21, s29;
	s29 =	sadd.s32 $0x8900, s22;
	v21 =	vld [tilespmem:s2+$0x0];
	vm2 =	vlt.s32 v2, v3  }
0x79: {  	v4 =	vshll.u32 v4, $0xE;
	s4 =	sor.u32 s20, s29;
	v1 =	vld [tilespmem:s24+$0x0];
	v2 =	vsel vm2, v2, v3;
	v3 =	vadd.s32 s31, v13  }
0x7a: {  	s8 =	sor.u32 $0xB, s23;
	s1 =	sadd.s32 $0x8980, s22;
	v10 =	vadd.s32 v14, v10;
	v14 =	vmpcnt.ones.xlane vm3;
	v20 =	vld [tilespmem:s4+$0x0];
	vm0 =	vlt.s32 v2, v3  }
0x7b: {  	s9 =	sor.u32 s20, s1;
	v6 =	vmpcnt.ones.xlane vm5;
	v8 =	vld [tilespmem:s30+$0x0];
	v2 =	vsel vm0, v2, v3;
	v3 =	vadd.s32 s8, v4  }
0x7c: {  	s11 =	sor.u32 $0xC, s23;
	v10 =	vshll.u32 v10, $0xE;
	v7 =	vadd.s32 v14, v7;
	v13 =	vld [tilespmem:s9+$0x0];
	s9 =	sor.u32 s21, s15;
	vm0 =	vlt.s32 v2, v3  }
0x7d: {  	s3 =	sadd.s32 $0x8B00, s22;
	v5 =	vadd.s32 v6, v5;
	v14 =	vld [tilespmem:s9+$0x0];
	v2 =	vsel vm0, v2, v3;
	v3 =	vadd.s32 s11, v10  }
0x7e: {  	s14 =	sor.u32 $0xD, s23;
	s0 =	sadd.s32 $0x8A80, s22;
	v7 =	vshll.u32 v7, $0xE;
	v5 =	vshll.u32 v5, $0xE;
	v4 =	vld [tilespmem:s10+$0x0];
	s8 =	sor.u32 s21, s3;
	vm0 =	vlt.s32 v2, v3  }
0x7f: {  	s12 =	sor.u32 s21, s0;
	s24 =	sadd.s32 $0xC880, s22;
	vm10 =	vne.s32 v21, v0;
	v18 =	vld [tilespmem:s8+$0x0];
	v2 =	vsel vm0, v2, v3;
	v3 =	vadd.s32 s14, v9  }
0x80: {  	s17 =	sadd.s32 $0xC900, s22;
	s26 =	sor.u32 $0xE, s23;
	s16 =	sor.u32 s21, s24;
	vm2 =	vne.s32 v12, v1;
	vm7 =	vne.s32 v20, v1;
	v10 =	vld [tilespmem:s12+$0x0];
	vm0 =	vlt.s32 v2, v3  }
0x81: {  	s9 =	sor.u32 s20, s17;
	vm1 =	vne.s32 v13, v1;
	v9 =	vld [tilespmem:s16+$0x0];
	v2 =	vsel vm0, v2, v3;
	v3 =	vadd.s32 s26, v7  }
0x82: {  	s28 =	sor.u32 s21, s17;
	s30 =	sor.u32 $0xF, s23;
	v19 =	vmpcnt.ones.xlane vm1;
	vm1 =	vne.s32 v11, v0;
	v11 =	vld [tilespmem:s9+$0x0];
	vm0 =	vlt.s32 v2, v3  }
0x83: {  	v6 =	vld [tilespmem:s28+$0x0];
	s31 =	sor.u32 s21, s29;
	vm5 =	vne.s32 v14, v0;
	v2 =	vsel vm0, v2, v3;
	v3 =	vadd.s32 s30, v5  }
0x84: {  	s0 =	sor.u32 s20, s0;
	v7 =	vimm.s32 $0x0;
	vm4 =	vne.s32 v18, v0;
	v5 =	vld [tilespmem:s31+$0x0];
	vm0 =	vlt.s32 v2, v3  }
0x85: {  	v18 =	vld [tilespmem:s0+$0x0];
	vm8 =	vne.s32 v10, v0;
	v3 =	vsel vm0, v2, v3;
	vm0 =	vne.s32 v4, v1  }
0x86: {  	v25 =	vmpcnt.ones.xlane vm8;
	v2 =	vmpcnt.ones.xlane vm0;
	vm0 =	vne.s32 v16, v1  }
0x87: {  	s1 =	sor.u32 s21, s1;
	s12 =	sadd.s32 $0x8880, s22;
	vm3 =	vne.s32 v11, v1;
	v13 =	vmpcnt.ones.xlane vm0;
	vm0 =	vne.s32 v9, v0  }
0x88: {  	s14 =	sor.u32 s21, s12;
	v4 =	vld [tilespmem:s1+$0x0];
	v9 =	vmpcnt.ones.xlane vm1;
	vm1 =	vne.s32 v6, v0;
	v2 =	vadd.s32 v7, v2  }
0x89: {  	s11 =	sadd.s32 $0xCA80, s22;
	v12 =	vld [tilespmem:s14+$0x0];
	v14 =	vmpcnt.ones.xlane vm1;
	vm1 =	vne.s32 v5, v0;
	v5 =	vmpcnt.ones.xlane vm7  }
0x8a: {  	s13 =	sadd.s32 $0xCA00, s22;
	s5 =	sor.u32 s21, s11;
	vm7 =	vne.s32 v18, v1;
	v18 =	vadd.s32 v7, v19;
	v19 =	vmpcnt.ones.xlane vm10  }
0x8b: {  	s15 =	sor.u32 s20, s13;
	v15 =	vld [tilespmem:s5+$0x0];
	v13 =	vadd.s32 v7, v13;
	v22 =	vmpcnt.ones.xlane vm1;
	vm1 =	vne.s32 v8, v0  }
0x8c: {  	s23 =	sor.u32 s20, s12;
	v6 =	vadd.s32 v9, v13;
	v9 =	vmpcnt.ones.xlane vm2;
	vm2 =	vne.s32 v17, v1;
	v17 =	vld [tilespmem:s15+$0x0]  }
0x8d: {  	s16 =	sor.u32 s20, s11;
	v20 =	vld [tilespmem:s23+$0x0];
	v8 =	vimm.s32 $0x0;
	vm6 =	vne.s32 v4, v0;
	v10 =	vmpcnt.ones.xlane vm2  }
0x8e: {  	s28 =	sadd.s32 $0x8800, s22;
	s17 =	sor.u32 s20, s3;
	v4 =	vmpcnt.ones.xlane vm3;
	vm3 =	vne.s32 v12, v0;
	v16 =	vadd.s32 v7, v9;
	v9 =	vld [tilespmem:s16+$0x0]  }
0x8f: {  	s25 =	sadd.s32 $0xC980, s22;
	s2 =	sor.u32 s21, s28;
	v23 =	vadd.s32 v7, v5;
	v5 =	vimm.s32 $0x0;
	v11 =	vadd.s32 v7, v10;
	v10 =	vld [tilespmem:s17+$0x0]  }
0x90: {  	v26 =	vld [tilespmem:s2+$0x0];
	s26 =	sor.u32 s21, s25;
	v12 =	vimm.s32 $0x0;
	vm2 =	vne.s32 v15, v0;
	v4 =	vadd.s32 v7, v4  }
0x91: {  	s0 =	sor.u32 s20, s25;
	v28 =	vld [tilespmem:s26+$0x0];
	v13 =	vmpcnt.ones.xlane vm2;
	v4 =	vadd.s32 v14, v4;
	vm2 =	vne.s32 v17, v1  }
0x92: {  	s29 =	sadd.s32 $0xC800, s22;
	s22 =	sor.u32 s21, s13;
	v27 =	vld [tilespmem:s0+$0x0];
	s30 =	sor.u32 s20, s28;
	v14 =	vimm.s32 $0x0;
	v17 =	vimm.s32 $0x0;
	v15 =	vmpcnt.ones.xlane vm2  }
0x93: {  	s23 =	sor.u32 s21, s29;
	s21 =	simm.s32 $0x20;
	s31 =	sor.u32 s20, s24;
	v29 =	vld [tilespmem:s30+$0x0];
	vm2 =	vne.s32 v20, v1;
	v20 =	vimm.s32 $0x0;
	vm8 =	vne.s32 v9, v1  }
0x94: {  	s26 =	simm.s32 $0x20;
	s24 =	sor.u32 s20, s29;
	s20 =	simm.s32 $0x100;
	v21 =	vld [tilespmem:s31+$0x0];
	v9 =	vimm.s32 $0x0;
	vm9 =	vne.s32 v10, v1;
	v10 =	vimm.s32 $0x0  }
.LBB2_5:
0x95: {  	s28 =	sand.u32 $0x60, s26  }
0x96: {  	s30 =	sand.u32 $0x3C00, s20;
	s0 =	sand.u32 $0x780, s26;
	v24 =	vmpcnt.ones.xlane vm6;
	v30 =	vmpcnt.ones.xlane vm4;
	vm6 =	vne.s32 v28, v0;
	v28 =	vld [tilespmem:s22+$0x0];
	s1 =	smov.u32 s26  }
0x97: {  	v31 =	vmpcnt.ones.xlane vm9;
	s12 =	sadd.s32 $0x8980, s30;
	s2 =	sadd.s32 $0xCB80, s30;
	s22 =	sor.u32 $0x10, s28;
	v32 =	vld [tilespmem:s24+$0x0];
	vm4 =	vne.s32 v27, v1;
	v27 =	vmpcnt.ones.xlane vm5  }
0x98: {  	v33 =	vmpcnt.ones.xlane vm8;
	s1 =	sadd.s32 $0x8880, s30;
	s4 =	sor.u32 s28, s2;
	s0 =	sor.u32 s22, s0;
	vm5 =	vne.s32 v29, v1;
	v29 =	vmpcnt.ones.xlane vm7;
	v34 =	vld [tilespmem:s23+$0x0]  }
0x99: {  	v37 =	vmpcnt.ones.xlane vm6;
	s25 =	sor.u32 s28, s1;
	s23 =	sadd.s32 $0x8900, s30;
	s7 =	sor.u32 s22, s2;
	v35 =	vld [tilespmem:s21+$0x0];
	v36 =	vmpcnt.ones.xlane vm5;
	v16 =	vadd.s32 v27, v16  }
0x9a: {  	s9 =	sadd.s32 $0x8A00, s30;
	s10 =	sadd.s32 $0x8A80, s30;
	s2 =	sadd.s32 $0xCA00, s30;
	vm5 =	vne.s32 v21, v1;
	v27 =	vld [tilespmem:s0+$0x0];
	v7 =	vadd.s32 v7, v29;
	v29 =	vmpcnt.ones.xlane vm3  }
0x9b: {  	s11 =	sor.u32 s28, s9;
	s29 =	sor.u32 s28, s10;
	v14 =	vadd.s32 v14, v31;
	s0 =	sor.u32 s28, s12;
	v21 =	vld [tilespmem:s7+$0x0];
	v7 =	vadd.s32 v25, v7;
	v25 =	vmpcnt.ones.xlane vm1  }
0x9c: {  	v23 =	vadd.s32 v22, v23;
	s16 =	sadd.s32 $0x8B00, s30;
	v38 =	vmpcnt.ones.xlane vm4;
	v14 =	vadd.s32 v30, v14;
	s7 =	sadd.s32 $0xC880, s30;
	v31 =	vld [tilespmem:s0+$0x0];
	s0 =	sadd.s32 $0x8B80, s30  }
0x9d: {  	s24 =	sadd.s32 $0xC900, s30;
	v30 =	vmpcnt.ones.xlane vm5;
	vm3 =	vne.s32 v32, v1;
	v22 =	vld [tilespmem:s11+$0x0];
	s11 =	sor.u32 s28, s0;
	s0 =	sor.u32 s22, s0;
	v11 =	vadd.s32 v25, v11  }
0x9e: {  	s17 =	sadd.s32 $0xCB00, s30;
	s13 =	sor.u32 s22, s10;
	v5 =	vadd.s32 v5, v33;
	vm1 =	vne.s32 v26, v0;
	vm4 =	vne.s32 v34, v0;
	v25 =	vld [tilespmem:s11+$0x0];
	s11 =	sadd.s32 $0xCA80, s30;
	v1 =	vmovc v35  }
0x9f: {  	s3 =	sadd.s32 $0xC800, s30;
	v5 =	vadd.s32 v13, v5;
	v8 =	vadd.s32 v8, v38;
	v32 =	vmpcnt.ones.xlane vm4;
	s31 =	sor.u32 s28, s11;
	v26 =	vld [tilespmem:s4+$0x0];
	s10 =	sor.u32 s22, s11  }
0xa0: {  	s5 =	sor.u32 s22, s23;
	v8 =	vadd.s32 v37, v8;
	v33 =	vmpcnt.ones.xlane vm3;
	v34 =	vmpcnt.ones.xlane vm0;
	s11 =	sor.u32 s28, s17;
	s4 =	sor.u32 s22, s9;
	v13 =	vld [tilespmem:s13+$0x0]  }
0xa1: {  	v9 =	vadd.s32 v9, v30;
	vm0 =	vne.s32 v28, v0;
	s9 =	sor.u32 s28, s24;
	v0 =	vmovc v27;
	s13 =	sor.u32 s22, s16;
	vm3 =	vne.s32 v31, v1;
	v31 =	vld [tilespmem:s4+$0x0];
	s4 =	sor.u32 s22, s7  }
0xa2: {  	s8 =	sor.u32 s22, s12;
	s12 =	sor.u32 s22, s24;
	s17 =	sor.u32 s22, s17;
	v12 =	vadd.s32 v12, v33;
	v9 =	vadd.s32 v34, v9;
	v30 =	vmpcnt.ones.xlane vm3;
	v27 =	vld [tilespmem:s4+$0x0]  }
0xa3: {  	v10 =	vadd.s32 v10, v15;
	s14 =	sor.u32 s28, s23;
	v20 =	vadd.s32 v20, v36;
	s4 =	sor.u32 s28, s2;
	vm3 =	vne.s32 v25, v1;
	v25 =	vld [tilespmem:s11+$0x0];
	s11 =	sor.u32 s22, s1  }
0xa4: {  	v2 =	vadd.s32 v19, v2;
	s24 =	sor.u32 s28, s3;
	v33 =	vmpcnt.ones.xlane vm2;
	s16 =	sor.u32 s28, s16;
	s1 =	sor.u32 s28, s7;
	v15 =	vmpcnt.ones.xlane vm3;
	v28 =	vld [tilespmem:s12+$0x0]  }
0xa5: {  	s15 =	sadd.s32 $0xC980, s30;
	s23 =	sor.u32 s22, s3;
	v34 =	vmpcnt.ones.xlane vm1;
	v12 =	vadd.s32 v32, v12;
	v32 =	vmpcnt.ones.xlane vm0;
	s12 =	sadd.s32 $0x8800, s30;
	v19 =	vld [tilespmem:s17+$0x0]  }
0xa6: {  	v17 =	vadd.s32 v17, v33;
	vm0 =	vne.s32 v22, v1;
	s7 =	sor.u32 s28, s15;
	s30 =	sor.u32 s28, s12;
	s28 =	sor.u32 s22, s15;
	v2 =	vadd.s32 v2, v15;
	v15 =	vld [tilespmem:s5+$0x0]  }
0xa7: {  	v20 =	vadd.s32 v34, v20;
	v22 =	vmpcnt.ones.xlane vm0;
	s12 =	sor.u32 s22, s12;
	s22 =	sor.u32 s22, s2;
	s2 =	sadd.s32 $0x20, s26;
	vm0 =	vne.s32 v27, v0;
	v27 =	vld [tilespmem:s10+$0x0]  }
0xa8: {  	p0 =	sne.s32 s26, $0x7E0;
	v18 =	vadd.s32 v24, v18;
	v10 =	vadd.s32 v32, v10;
	vm1 =	vne.s32 v31, v0;
	v31 =	vld [tilespmem:s13+$0x0]  }
0xa9: {  	v17 =	vadd.s32 v29, v17;
	v6 =	vadd.s32 v6, v22;
	v22 =	vld [tilespmem:s8+$0x0];
	vm2 =	vne.s32 v28, v0  }
0xaa: {  	v28 =	vmpcnt.ones.xlane vm1;
	v24 =	vld [tilespmem:s9+$0x0]  }
0xab: {  	v29 =	vld [tilespmem:s14+$0x0]  }
0xac: {  	vm3 =	vne.s32 v25, v1;
	vm1 =	vne.s32 v13, v0;
	v6 =	vadd.s32 v28, v6;
	v32 =	vld [tilespmem:s0+$0x0]  }
0xad: {  	v13 =	vmpcnt.ones.xlane vm3;
	vm3 =	vne.s32 v26, v1;
	v25 =	vld [tilespmem:s11+$0x0];
	vm4 =	vne.s32 v31, v0  }
0xae: {  	v28 =	vmpcnt.ones.xlane vm3;
	vm3 =	vne.s32 v27, v0;
	v26 =	vld [tilespmem:s4+$0x0]  }
0xaf: {  	v16 =	vadd.s32 v16, v13;
	vm6 =	vne.s32 v22, v0;
	v27 =	vld [tilespmem:s29+$0x0];
	vm5 =	vne.s32 v24, v1  }
0xb0: {  	v11 =	vadd.s32 v11, v28;
	v22 =	vmpcnt.ones.xlane vm5;
	v24 =	vld [tilespmem:s31+$0x0];
	vm5 =	vne.s32 v19, v0  }
0xb1: {  	v28 =	vmpcnt.ones.xlane vm2;
	v13 =	vmpcnt.ones.xlane vm3;
	vm7 =	vne.s32 v29, v1;
	v19 =	vld [tilespmem:s16+$0x0]  }
0xb2: {  	vm2 =	vne.s32 v15, v0;
	v31 =	vld [tilespmem:s25+$0x0];
	v4 =	vadd.s32 v4, v22;
	vm3 =	vne.s32 v25, v0  }
.Ltmp1:
0xb3: {  	v15 =	vmpcnt.ones.xlane vm7;
	v22 =	vmpcnt.ones.xlane vm2;
	v4 =	vadd.s32 v28, v4;
	v28 =	vld [tilespmem:s28+$0x0];
	(pc) =	sbr.rel @p0 .LBB2_5-.Ltmp1, $4  }
0xb4: {  	v25 =	vmpcnt.ones.xlane vm1;
	vm2 =	vne.s32 v26, v1;
	vm7 =	vne.s32 v27, v1;
	v27 =	vld [tilespmem:s7+$0x0]  }
0xb5: {  	vm10 =	vne.s32 v32, v0;
	vm1 =	vne.s32 v21, v0;
	v23 =	vadd.s32 v23, v15;
	v29 =	vld [tilespmem:s30+$0x0]  }
0xb6: {  	v15 =	vmpcnt.ones.xlane vm2;
	vm8 =	vne.s32 v24, v1;
	vm9 =	vne.s32 v19, v1;
	v21 =	vld [tilespmem:s1+$0x0]  }
0xb7: {  	s20 =	sadd.s32 $0x100, s20;
	s21 =	sadd.s32 $0x20, s21;
	v18 =	vadd.s32 v18, v30;
	s26 =	smov.u32 s2;
	v19 =	vmpcnt.ones.xlane vm10;
	vm2 =	vne.s32 v31, v1;
	v26 =	vld [tilespmem:s12+$0x0]  }
0xb8: {  	_ = 	snop  }
0xb9: {  	v24 =	vmpcnt.ones.xlane vm6  }
0xba: {  	v30 =	vmpcnt.ones.xlane vm4;
	v46 =	vmpcnt.ones.xlane vm9  }
0xbb: {  	v31 =	vmpcnt.ones.xlane vm5;
	v47 =	vmpcnt.ones.xlane vm7;
	vm12 =	vne.s32 v29, v1  }
0xbc: {  	v48 =	vmpcnt.ones.xlane vm8;
	v32 =	vmpcnt.ones.xlane vm12;
	vm13 =	vne.s32 v26, v0  }
0xbd: {  	vm11 =	vne.s32 v28, v0;
	v50 =	vmpcnt.ones.xlane vm2;
	v49 =	vmpcnt.ones.xlane vm13  }
0xbe: {  	v51 =	vmpcnt.ones.xlane vm3;
	s0 =	rddreg [dreg:$0xa];
	v22 =	vadd.s32 v22, v23;
	v20 =	vadd.s32 v20, v32  }
0xbf: {  	v6 =	vshll.u32 v6, $0xE;
	v59 =	vmpcnt.ones.xlane vm0;
	s0 =	sshll.u32 s0, $0x4;
	v20 =	vadd.s32 v49, v20  }
0xc0: {  	vm14 =	vne.s32 v27, v1;
	v17 =	vadd.s32 v17, v50;
	s2 =	sadd.s32 s19, s0;
	v20 =	vshll.u32 v20, $0xE  }
0xc1: {  	v33 =	vmpcnt.ones.xlane vm11;
	v17 =	vadd.s32 v51, v17;
	v20 =	vadd.s32 s2, v20  }
0xc2: {  	v52 =	vld [tilespmem:s24+$0x0];
	v22 =	vshll.u32 v22, $0xE;
	s0 =	sor.u32 $0x1, s2;
	v17 =	vshll.u32 v17, $0xE;
	vm8 =	vlt.s32 v3, v20  }
0xc3: {  	v2 =	vadd.s32 v19, v2;
	v17 =	vadd.s32 s0, v17;
	v3 =	vsel vm8, v3, v20  }
0xc4: {  	v7 =	vadd.s32 v7, v47;
	v14 =	vadd.s32 v14, v46;
	s15 =	sor.u32 $0x2, s2;
	vm3 =	vlt.s32 v3, v17  }
0xc5: {  	v18 =	vadd.s32 v24, v18;
	v55 =	vadd.s32 s15, v22;
	v3 =	vsel vm3, v3, v17  }
0xc6: {  	vm15 =	vne.s32 v21, v1;
	v18 =	vshll.u32 v18, $0xE;
	s16 =	sor.u32 $0x3, s2;
	vm3 =	vlt.s32 v3, v55  }
0xc7: {  	v53 =	vld [tilespmem:s23+$0x0];
	vm9 =	vne.s32 v52, v1;
	v1 =	vsel vm3, v3, v55;
	v3 =	vadd.s32 s16, v18  }
0xc8: {  	v54 =	vmpcnt.ones.xlane vm14;
	v2 =	vshll.u32 v2, $0xE;
	s17 =	sor.u32 $0x4, s2;
	vm10 =	vlt.s32 v1, v3  }
0xc9: {  	v7 =	vadd.s32 v25, v7;
	v1 =	vsel vm10, v1, v3;
	v3 =	vadd.s32 s17, v6  }
0xca: {  	s13 =	smov.u32 s19;
	v14 =	vadd.s32 v30, v14;
	s19 =	sor.u32 $0x5, s2;
	v7 =	vshll.u32 v7, $0xE;
	vm2 =	vlt.s32 v1, v3  }
0xcb: {  	v14 =	vshll.u32 v14, $0xE;
	v1 =	vsel vm2, v1, v3;
	v3 =	vadd.s32 s19, v7  }
0xcc: {  	s20 =	sor.u32 $0x6, s2;
	vm11 =	vne.s32 v53, v0;
	v58 =	vmpcnt.ones.xlane vm9;
	vm12 =	vlt.s32 v1, v3  }
0xcd: {  	v60 =	vld [tilespmem:s22+$0x0];
	v57 =	vmpcnt.ones.xlane vm11;
	v1 =	vsel vm12, v1, v3;
	v3 =	vadd.s32 s20, v14  }
0xce: {  	s21 =	sor.u32 $0x7, s2;
	v56 =	vmpcnt.ones.xlane vm15;
	v12 =	vadd.s32 v12, v58;
	vm0 =	vlt.s32 v1, v3  }
0xcf: {  	v2 =	vadd.s32 s21, v2;
	v6 =	vadd.s32 v57, v12;
	v1 =	vsel vm0, v1, v3  }
0xd0: {  	s23 =	sor.u32 $0x8, s2;
	v6 =	vshll.u32 v6, $0xE;
	v3 =	vadd.s32 v9, v56;
	vm0 =	vlt.s32 v1, v2  }
0xd1: {  	v3 =	vadd.s32 v59, v3;
	v1 =	vsel vm0, v1, v2;
	v2 =	vadd.s32 s23, v6  }
0xd2: {  	s24 =	sor.u32 $0x9, s2;
	vm13 =	vne.s32 v60, v0;
	v3 =	vshll.u32 v3, $0xE;
	vm0 =	vlt.s32 v1, v2  }
0xd3: {  	s25 =	sor.u32 $0xA, s2;
	v0 =	vshll.u32 v4, $0xE;
	v1 =	vsel vm0, v1, v2;
	v2 =	vadd.s32 s24, v3  }
0xd4: {  	v61 =	vadd.s32 v8, v54;
	v0 =	vadd.s32 s25, v0;
	vm14 =	vlt.s32 v1, v2  }
0xd5: {  	v6 =	vadd.s32 v33, v61;
	v3 =	vmpcnt.ones.xlane vm13;
	v1 =	vsel vm14, v1, v2  }
0xd6: {  	s26 =	sor.u32 $0xB, s2;
	v62 =	vshll.u32 v6, $0xE;
	v2 =	vadd.s32 v10, v15;
	vm15 =	vlt.s32 v1, v0  }
0xd7: {  	v2 =	vadd.s32 v3, v2;
	v0 =	vsel vm15, v1, v0;
	v1 =	vadd.s32 s26, v62  }
0xd8: {  	s28 =	sor.u32 $0xC, s2;
	v3 =	vadd.s32 v5, v48;
	v2 =	vshll.u32 v2, $0xE;
	vm0 =	vlt.s32 v0, v1  }
0xd9: {  	v3 =	vadd.s32 v13, v3;
	v0 =	vsel vm0, v0, v1;
	v1 =	vadd.s32 s28, v2  }
0xda: {  	v63 =	vmpcnt.ones.xlane vm1;
	s29 =	sor.u32 $0xD, s2;
	v3 =	vshll.u32 v3, $0xE;
	vm0 =	vlt.s32 v0, v1  }
0xdb: {  	s18 =	sadd.s32 $0x1, s18;
	v2 =	vadd.s32 v31, v16;
	v0 =	vsel vm0, v0, v1;
	v1 =	vadd.s32 s29, v3  }
0xdc: {  	p0 =	sne.s32 s18, $0x6;
	s30 =	sor.u32 $0xE, s2;
	v2 =	vshll.u32 v2, $0xE;
	vm0 =	vlt.s32 v0, v1  }
.Ltmp2:
0xdd: {  	v3 =	vadd.s32 v63, v11;
	v0 =	vsel vm0, v0, v1;
	v1 =	vadd.s32 s30, v2;
	(pc) =	sbr.rel @p0 .LBB2_2-.Ltmp2, $4  }
0xde: {  	s31 =	sor.u32 $0xF, s2;
	v2 =	vshll.u32 v3, $0xE;
	vm0 =	vlt.s32 v0, v1  }
0xdf: {  	v0 =	vsel vm0, v0, v1;
	v1 =	vadd.s32 s31, v2  }
0xe0: {  	vm0 =	vlt.s32 v0, v1  }
0xe1: {  	s3 =	smov.u32 s6;
	v2 =	vsel vm0, v0, v1  }
0xe2: {  	[tilespmem:$0x10800] =	vst v2;
	s5 =	simm.s32 $0x0;
	s0 =	rddreg [dreg:$0x7];
	s1 =	simm.s32 $0x10800  }
0xe3: {  	[hbm4b:s0+s5] =	stream.linear.scatter [tilespmem:s1], [sflag:$0x3], $0x80, $0x38;
	[tilespmem:$0x10880] =	vst v63  }
0xe4: {  	s1 =	simm.s32 $0x3  }
0xe5: {  	_ =	swait.ge [sflag:s1], $0x80  }
0xe6: {  	s2 =	rddreg [dreg:$0x9]  }
0xe7: {  	s31 =	rddreg [dreg:$0x8];
	s2 =	sadd.s32 $0x1, s2  }
0xe8: {  	p0 =	sne.s32 s2, s31  }
.Ltmp3:
0xe9: {  	_ = 	snop;
	(pc) =	sbr.rel @p0 .LBB2_1-.Ltmp3, $3  }
0xea: {  	_ =	sdelay $0x1  }
0xeb: {  	[sflag:s1] =	ssyncset.done $0x0  }
0xec: {  	[sflag:s1] =	ssyncadd.s32 $0xFFFFFF80  }
0xed: {  	_ =	sfence.sel $0x180000  }
0xee: {  	[bflag:$0x0] =	sbarrier.arrive $0xFFFF  }
0xef: {  	_ =	strace $0x90000047  }
0xf0: {  	s0 =	stileid.u32;
	[bflag:$0x2] =	sbarrier.arrive $0xFFFF  }
0xf1: {  	p0 =	sne.s32 s0, $0x0;
	s0 =	rddreg [dreg:$0x3]  }
0xf2: {  	s0 =	sadd.s32 @!p0 $0x100000, s0  }
0xf3: {  	[sflag:s0] =	ssyncadd.tile.s32 @!p0 $0x1;
	_ =	shalt  }
.Lfunc_end2:
_tile_overlayer_lowered:
.L_overlay_start_2:
0xf4: {  	(tag) =	ssettag $0x2  }
0xf5: {  	s0 =	rddreg [dreg:$0x0];
	s2 =	stileid.u32  }
0xf6: {  	s1 =	rddreg [dreg:$0x1];
	p0 =	sne.s32 s2, $0x0  }
0xf7: {  	s3 =	rddreg [dreg:$0x2];
	[bflag:$0x3] =	sbarrier.arrive $0xFFFF;
	s2 =	simm.s32 @!p0 $0x1C03  }
0xf8: {  	[timem:s3], [sflag:s2] =	dma.local @!p0 [hbm:s0], s1  }
0xf9: {  	s0 =	simm.s32 @!p0 $0x3  }
0xfa: {  	_ =	swait.ge @!p0 [sflag:s0], s1  }
0xfb: {  	s1 =	ssub.s32 @!p0 $0x0, s1;
	[sflag:s0] =	ssyncset.done @!p0 $0x0  }
0xfc: {  	[sflag:s0] =	ssyncadd.s32 @!p0 s1  }
0xfd: {  	[bflag:$0x3] =	sbarrier.arrive $0xFFFF  }
0xfe: {  	_ =	shalt  }

</sc_bundles>
